<compile_context>
chip_gen: v7x
topology: tpu7x:2x2x1
jax: 0.10.2.dev20260603
libtpu: 0.0.44.dev20260713+nightly
codegen_flags: <defaults>
</compile_context>

<pallas_src>
import jax
import jax.numpy as jnp
from jax import lax
from jax.experimental import pallas as pl
from jax.experimental.pallas import tpu as pltpu
from jax.experimental.pallas import tpu_sc as plsc

N, C, H, W = 64, 3, 512, 512
L = 256
NPLANES = N * C
NWORKERS = 32
PLANES_PER_W = NPLANES // NWORKERS
RBLK = 32
BLKS_PER_PLANE = H // RBLK
NBLKS = PLANES_PER_W * BLKS_PER_PLANE
LUT_STRIDE = L + 1
LUT_PAD = 784
VEC = 16


NBUF = 2


def _sc_body(img_hbm, lut_hbm, out_hbm, lut_a, lut_d,
             in_v0, in_v1, out_v0, out_v1,
             in_sem0, in_sem1, out_sem0, out_sem1):
    wid = lax.axis_index("s") * 2 + lax.axis_index("c")
    pltpu.sync_copy(lut_hbm.at[0], lut_a)
    pltpu.sync_copy(lut_hbm.at[1], lut_d)

    in_vs, out_vs = (in_v0, in_v1), (out_v0, out_v1)
    in_sems = (in_sem0, in_sem1)
    out_sems = (out_sem0, out_sem1)

    def addr(t):
        p = wid * PLANES_PER_W + t // BLKS_PER_PLANE
        return p // C, lax.rem(p, C), lax.rem(t, BLKS_PER_PLANE) * RBLK

    def compute(in_v, out_v, off_f):
        @plsc.parallel_loop(0, RBLK * W // VEC, unroll=8)
        def vec_body(i):
            h = i // (W // VEC)
            col = lax.rem(i, W // VEC) * VEC
            v = in_v[h, pl.ds(col, VEC)]
            x = v * 255.0 + off_f
            x0 = x.astype(jnp.int32)
            w = x - x0.astype(jnp.float32)
            a = plsc.load_gather(lut_a, [x0])
            d = plsc.load_gather(lut_d, [x0])
            out_v[h, pl.ds(col, VEC)] = a + w * d

    def fill(t, b):
        n, c, r = addr(t)
        pltpu.async_copy(img_hbm.at[n, c, pl.ds(r, RBLK), :],
                         in_vs[b], in_sems[b])

    def wait_fill(t, b):
        n, c, r = addr(t)
        pltpu.make_async_copy(img_hbm.at[n, c, pl.ds(r, RBLK), :],
                              in_vs[b], in_sems[b]).wait()

    def drain(t, b):
        n, c, r = addr(t)
        pltpu.async_copy(out_vs[b], out_hbm.at[n, c, pl.ds(r, RBLK), :],
                         out_sems[b])

    def wait_drain(t, b):
        n, c, r = addr(t)
        pltpu.make_async_copy(out_vs[b],
                              out_hbm.at[n, c, pl.ds(r, RBLK), :],
                              out_sems[b]).wait()

    for b in range(NBUF):
        fill(b, b)

    def group_body(g, _):
        for b in range(NBUF):
            t = NBUF * g + b
            p = wid * PLANES_PER_W + t // BLKS_PER_PLANE
            off_f = (lax.rem(p, C) * LUT_STRIDE).astype(jnp.float32)
            wait_fill(t, b)

            @pl.when(g >= 1)
            def _():
                wait_drain(t, b)
            compute(in_vs[b], out_vs[b], off_f)
            drain(t, b)

            @pl.when(g <= NBLKS // NBUF - 2)
            def _():
                fill(t + NBUF, b)
        return 0

    lax.fori_loop(0, NBLKS // NBUF, group_body, 0)
    for b in range(NBUF):
        wait_drain(NBLKS - NBUF + b, b)


@jax.jit
def _lut_apply(image, lut_flat):
    mesh = plsc.VectorSubcoreMesh(core_axis_name="c", subcore_axis_name="s")
    return pl.kernel(
        _sc_body,
        out_type=jax.ShapeDtypeStruct((N, C, H, W), jnp.float32),
        mesh=mesh,
        scratch_types=[
            pltpu.VMEM((LUT_PAD,), jnp.float32),
            pltpu.VMEM((LUT_PAD,), jnp.float32),
            pltpu.VMEM((RBLK, W), jnp.float32),
            pltpu.VMEM((RBLK, W), jnp.float32),
            pltpu.VMEM((RBLK, W), jnp.float32),
            pltpu.VMEM((RBLK, W), jnp.float32),
            pltpu.SemaphoreType.DMA,
            pltpu.SemaphoreType.DMA,
            pltpu.SemaphoreType.DMA,
            pltpu.SemaphoreType.DMA,
        ],
        compiler_params=pltpu.CompilerParams(
            needs_layout_passes=False, use_tc_tiling_on_sc=True),
    )(image, lut_flat)


def kernel(image, icrf):
    lut = jnp.concatenate([icrf, icrf[:, -1:]], axis=1).reshape(-1)
    a = jnp.pad(lut, (0, LUT_PAD - lut.shape[0]))
    d = jnp.pad(lut[1:] - lut[:-1], (0, LUT_PAD - lut.shape[0] + 1))
    return _lut_apply(image, jnp.stack([a, d]))

# --- scband reference (transcript-rebuilt; emitter-appended) ---
"""Pipeline reference for scband-icrfmodel-base-32796370272905 (READ-ONLY COPY).

The authoritative reference and input builder live on the scoring server;
editing this copy changes nothing except your own understanding.
"""

import jax, jax.numpy as jnp
import numpy as np

N_POINTS = 256
CHANNELS = 3
INITIAL_POWER = 2.5


def _make_icrf():
    # matches _initialize_default_icrf: transpose(linspace(0,1,n).unsqueeze(1).repeat(1,C) ** p) -> (C, L)
    lin = jnp.linspace(0.0, 1.0, N_POINTS)
    icrf = jnp.tile(lin[:, None], (1, CHANNELS)) ** INITIAL_POWER
    return icrf.T.astype(jnp.float32)


def setup_inputs(seed: int = 0) -> dict:
    key = jax.random.key(seed)
    image = jax.random.uniform(key, (64, 3, 512, 512), dtype=jnp.float32)
    icrf = _make_icrf()
    return {"image": image, "icrf": icrf}


def reference(image, icrf):
    # Faithful port of ICRFModelBase._forward_linear (default InterpMode.LINEAR)
    N, C, H, W = image.shape
    L = icrf.shape[1]
    x = jnp.clip(image * (L - 1), 0, L - 1)
    x0 = jnp.floor(x).astype(jnp.int32)
    x1 = jnp.clip(x0 + 1, 0, L - 1)
    w = x - x0.astype(jnp.float32)
    chan = jnp.arange(C, dtype=jnp.int32).reshape(1, C, 1, 1)
    g0 = icrf[chan, x0]
    g1 = icrf[chan, x1]
    return g0 * (1.0 - w) + g1 * w

if __name__ == "__main__":
    import jax
    _d = setup_inputs()
    print(jax.jit(kernel)(*tuple(_d.values())))

</pallas_src>

<mosaic_0001>
#map = affine_map<(d0, d1) -> (0, 0, 0, 0)>
#map1 = affine_map<(d0, d1) -> (0, 0)>
module attributes {stable_mosaic.version = 14 : i64} {
  func.func @_sc_body(%arg0: i32, %arg1: i32, %arg2: memref<64x3x512x512xf32, #tpu.memory_space<hbm>>, %arg3: memref<2x784xf32, #tpu.memory_space<hbm>>, %arg4: memref<64x3x512x512xf32, #tpu.memory_space<hbm>>, %arg5: memref<784xf32, #tpu.memory_space<vmem>>, %arg6: memref<784xf32, #tpu.memory_space<vmem>>, %arg7: memref<32x512xf32, #tpu.memory_space<vmem>>, %arg8: memref<32x512xf32, #tpu.memory_space<vmem>>, %arg9: memref<32x512xf32, #tpu.memory_space<vmem>>, %arg10: memref<32x512xf32, #tpu.memory_space<vmem>>, %arg11: memref<!tpu.dma_semaphore, #tpu.memory_space<semaphore_mem>>, %arg12: memref<!tpu.dma_semaphore, #tpu.memory_space<semaphore_mem>>, %arg13: memref<!tpu.dma_semaphore, #tpu.memory_space<semaphore_mem>>, %arg14: memref<!tpu.dma_semaphore, #tpu.memory_space<semaphore_mem>>) attributes {dimension_semantics = [#tpu.dimension_semantics<core_parallel>, #tpu.dimension_semantics<subcore_parallel>], iteration_bounds = array<i64: 2, 16>, scalar_prefetch = 0 : i64, scratch_operands = 10 : i64, tpu.core_type = #tpu.core_type<sc_vector_subcore>, window_params = [{transform_indices = #map}, {transform_indices = #map1}, {transform_indices = #map}]} {
    %mul3A = arith.constant 2 : i32
    %mul3A_0 = arith.muli %arg1, %mul3A : i32
    %add3A = arith.addi %mul3A_0, %arg0 : i32
    %run_scoped3A = arith.constant 0 : i32
    "tpu.region"() ({
      %run_scoped3A_162 = tpu.sem_alloc : memref<!tpu.dma_semaphore, #tpu.memory_space<semaphore_mem>>
      %dma_start3A_163 = arith.constant 0 : i32
      %dma_start3A_164 = tpu.memref_slice %arg3[%run_scoped3A, %dma_start3A_163] : memref<2x784xf32, #tpu.memory_space<hbm>> -> memref<1x784xf32, #tpu.memory_space<hbm>>
      %dma_start3A_165 = tpu.memref_squeeze %dma_start3A_164 : memref<1x784xf32, #tpu.memory_space<hbm>> -> memref<784xf32, #tpu.memory_space<hbm>>
      %dma_start3A_166 = arith.constant 0 : i32
      %dma_start3A_167 = tpu.memref_slice %arg3[%run_scoped3A, %dma_start3A_166] : memref<2x784xf32, #tpu.memory_space<hbm>> -> memref<1x784xf32, #tpu.memory_space<hbm>>
      %dma_start3A_168 = tpu.memref_squeeze %dma_start3A_167 : memref<1x784xf32, #tpu.memory_space<hbm>> -> memref<784xf32, #tpu.memory_space<hbm>>
      tpu.enqueue_dma source(%dma_start3A_168 : memref<784xf32, #tpu.memory_space<hbm>>) target(%arg5 : memref<784xf32, #tpu.memory_space<vmem>>) target_semaphore(%run_scoped3A_162 : memref<!tpu.dma_semaphore, #tpu.memory_space<semaphore_mem>>)
      %dma_wait3A_169 = arith.constant 0 : i32
      %dma_wait3A_170 = tpu.memref_slice %arg3[%run_scoped3A, %dma_wait3A_169] : memref<2x784xf32, #tpu.memory_space<hbm>> -> memref<1x784xf32, #tpu.memory_space<hbm>>
      %dma_wait3A_171 = tpu.memref_squeeze %dma_wait3A_170 : memref<1x784xf32, #tpu.memory_space<hbm>> -> memref<784xf32, #tpu.memory_space<hbm>>
      %dma_wait3A_172 = arith.constant 0 : i32
      %dma_wait3A_173 = tpu.memref_slice %arg3[%run_scoped3A, %dma_wait3A_172] : memref<2x784xf32, #tpu.memory_space<hbm>> -> memref<1x784xf32, #tpu.memory_space<hbm>>
      %dma_wait3A_174 = tpu.memref_squeeze %dma_wait3A_173 : memref<1x784xf32, #tpu.memory_space<hbm>> -> memref<784xf32, #tpu.memory_space<hbm>>
      tpu.wait_dma2 semaphore(%run_scoped3A_162 : memref<!tpu.dma_semaphore, #tpu.memory_space<semaphore_mem>>) src(%dma_wait3A_174 : memref<784xf32, #tpu.memory_space<hbm>>) dst(%arg5 : memref<784xf32, #tpu.memory_space<vmem>>)
      tpu.yield
    }) : () -> ()
    %run_scoped3A_1 = arith.constant 1 : i32
    "tpu.region"() ({
      %run_scoped3A_162 = tpu.sem_alloc : memref<!tpu.dma_semaphore, #tpu.memory_space<semaphore_mem>>
      %dma_start3A_163 = arith.constant 0 : i32
      %dma_start3A_164 = tpu.memref_slice %arg3[%run_scoped3A_1, %dma_start3A_163] : memref<2x784xf32, #tpu.memory_space<hbm>> -> memref<1x784xf32, #tpu.memory_space<hbm>>
      %dma_start3A_165 = tpu.memref_squeeze %dma_start3A_164 : memref<1x784xf32, #tpu.memory_space<hbm>> -> memref<784xf32, #tpu.memory_space<hbm>>
      %dma_start3A_166 = arith.constant 0 : i32
      %dma_start3A_167 = tpu.memref_slice %arg3[%run_scoped3A_1, %dma_start3A_166] : memref<2x784xf32, #tpu.memory_space<hbm>> -> memref<1x784xf32, #tpu.memory_space<hbm>>
      %dma_start3A_168 = tpu.memref_squeeze %dma_start3A_167 : memref<1x784xf32, #tpu.memory_space<hbm>> -> memref<784xf32, #tpu.memory_space<hbm>>
      tpu.enqueue_dma source(%dma_start3A_168 : memref<784xf32, #tpu.memory_space<hbm>>) target(%arg6 : memref<784xf32, #tpu.memory_space<vmem>>) target_semaphore(%run_scoped3A_162 : memref<!tpu.dma_semaphore, #tpu.memory_space<semaphore_mem>>)
      %dma_wait3A_169 = arith.constant 0 : i32
      %dma_wait3A_170 = tpu.memref_slice %arg3[%run_scoped3A_1, %dma_wait3A_169] : memref<2x784xf32, #tpu.memory_space<hbm>> -> memref<1x784xf32, #tpu.memory_space<hbm>>
      %dma_wait3A_171 = tpu.memref_squeeze %dma_wait3A_170 : memref<1x784xf32, #tpu.memory_space<hbm>> -> memref<784xf32, #tpu.memory_space<hbm>>
      %dma_wait3A_172 = arith.constant 0 : i32
      %dma_wait3A_173 = tpu.memref_slice %arg3[%run_scoped3A_1, %dma_wait3A_172] : memref<2x784xf32, #tpu.memory_space<hbm>> -> memref<1x784xf32, #tpu.memory_space<hbm>>
      %dma_wait3A_174 = tpu.memref_squeeze %dma_wait3A_173 : memref<1x784xf32, #tpu.memory_space<hbm>> -> memref<784xf32, #tpu.memory_space<hbm>>
      tpu.wait_dma2 semaphore(%run_scoped3A_162 : memref<!tpu.dma_semaphore, #tpu.memory_space<semaphore_mem>>) src(%dma_wait3A_174 : memref<784xf32, #tpu.memory_space<hbm>>) dst(%arg6 : memref<784xf32, #tpu.memory_space<vmem>>)
      tpu.yield
    }) : () -> ()
    %mul3A_2 = arith.constant 6 : i32
    %mul3A_3 = arith.muli %add3A, %mul3A_2 : i32
    %add3A_4 = arith.constant 0 : i32
    %add3A_5 = arith.addi %mul3A_3, %add3A_4 : i32
    %jit3A = arith.constant 3 : i32
    %div3A = arith.divsi %add3A_5, %jit3A : i32
    %sign3A = arith.constant 0 : i32
    %sign3A_6 = arith.cmpi sgt, %add3A_5, %sign3A : i32
    %sign3A_7 = arith.extui %sign3A_6 : i1 to i32
    %sign3A_8 = arith.constant 0 : i32
    %sign3A_9 = arith.cmpi slt, %add3A_5, %sign3A_8 : i32
    %sign3A_10 = arith.extui %sign3A_9 : i1 to i32
    %sign3A_11 = arith.subi %sign3A_7, %sign3A_10 : i32
    %sign3A_12 = arith.constant 0 : i32
    %sign3A_13 = arith.cmpi sgt, %jit3A, %sign3A_12 : i32
    %sign3A_14 = arith.extui %sign3A_13 : i1 to i32
    %sign3A_15 = arith.constant 0 : i32
    %sign3A_16 = arith.cmpi slt, %jit3A, %sign3A_15 : i32
    %sign3A_17 = arith.extui %sign3A_16 : i1 to i32
    %sign3A_18 = arith.subi %sign3A_14, %sign3A_17 : i32
    %ne3A = arith.cmpi ne, %sign3A_11, %sign3A_18 : i32
    %rem3A = arith.remsi %add3A_5, %jit3A : i32
    %ne3A_19 = arith.constant 0 : i32
    %ne3A_20 = arith.cmpi ne, %rem3A, %ne3A_19 : i32
    %and3A = arith.andi %ne3A, %ne3A_20 : i1
    %sub3A = arith.constant 1 : i32
    %sub3A_21 = arith.subi %div3A, %sub3A : i32
    %select_n3A = arith.select %and3A, %sub3A_21, %div3A : i32
    %rem3A_22 = arith.constant 3 : i32
    %rem3A_23 = arith.remsi %add3A_5, %rem3A_22 : i32
    %rem3A_24 = arith.constant 0 : i32
    %rem3A_25 = arith.constant 16 : i32
    %rem3A_26 = arith.remsi %rem3A_24, %rem3A_25 : i32
    %mul3A_27 = arith.constant 32 : i32
    %mul3A_28 = arith.muli %rem3A_26, %mul3A_27 : i32
    %dma_start3A = arith.constant 0 : i32
    %dma_start3A_29 = tpu.memref_slice %arg2[%select_n3A, %rem3A_23, %mul3A_28, %dma_start3A] : memref<64x3x512x512xf32, #tpu.memory_space<hbm>> -> memref<1x1x32x512xf32, #tpu.memory_space<hbm>>
    %dma_start3A_30 = tpu.memref_squeeze %dma_start3A_29 : memref<1x1x32x512xf32, #tpu.memory_space<hbm>> -> memref<32x512xf32, #tpu.memory_space<hbm>>
    %dma_start3A_31 = arith.constant 0 : i32
    %dma_start3A_32 = tpu.memref_slice %arg2[%select_n3A, %rem3A_23, %mul3A_28, %dma_start3A_31] : memref<64x3x512x512xf32, #tpu.memory_space<hbm>> -> memref<1x1x32x512xf32, #tpu.memory_space<hbm>>
    %dma_start3A_33 = tpu.memref_squeeze %dma_start3A_32 : memref<1x1x32x512xf32, #tpu.memory_space<hbm>> -> memref<32x512xf32, #tpu.memory_space<hbm>>
    tpu.enqueue_dma source(%dma_start3A_33 : memref<32x512xf32, #tpu.memory_space<hbm>>) target(%arg7 : memref<32x512xf32, #tpu.memory_space<vmem>>) target_semaphore(%arg11 : memref<!tpu.dma_semaphore, #tpu.memory_space<semaphore_mem>>)
    %mul3A_34 = arith.constant 6 : i32
    %mul3A_35 = arith.muli %add3A, %mul3A_34 : i32
    %add3A_36 = arith.constant 0 : i32
    %add3A_37 = arith.addi %mul3A_35, %add3A_36 : i32
    %jit3A_38 = arith.constant 3 : i32
    %div3A_39 = arith.divsi %add3A_37, %jit3A_38 : i32
    %sign3A_40 = arith.constant 0 : i32
    %sign3A_41 = arith.cmpi sgt, %add3A_37, %sign3A_40 : i32
    %sign3A_42 = arith.extui %sign3A_41 : i1 to i32
    %sign3A_43 = arith.constant 0 : i32
    %sign3A_44 = arith.cmpi slt, %add3A_37, %sign3A_43 : i32
    %sign3A_45 = arith.extui %sign3A_44 : i1 to i32
    %sign3A_46 = arith.subi %sign3A_42, %sign3A_45 : i32
    %sign3A_47 = arith.constant 0 : i32
    %sign3A_48 = arith.cmpi sgt, %jit3A_38, %sign3A_47 : i32
    %sign3A_49 = arith.extui %sign3A_48 : i1 to i32
    %sign3A_50 = arith.constant 0 : i32
    %sign3A_51 = arith.cmpi slt, %jit3A_38, %sign3A_50 : i32
    %sign3A_52 = arith.extui %sign3A_51 : i1 to i32
    %sign3A_53 = arith.subi %sign3A_49, %sign3A_52 : i32
    %ne3A_54 = arith.cmpi ne, %sign3A_46, %sign3A_53 : i32
    %rem3A_55 = arith.remsi %add3A_37, %jit3A_38 : i32
    %ne3A_56 = arith.constant 0 : i32
    %ne3A_57 = arith.cmpi ne, %rem3A_55, %ne3A_56 : i32
    %and3A_58 = arith.andi %ne3A_54, %ne3A_57 : i1
    %sub3A_59 = arith.constant 1 : i32
    %sub3A_60 = arith.subi %div3A_39, %sub3A_59 : i32
    %select_n3A_61 = arith.select %and3A_58, %sub3A_60, %div3A_39 : i32
    %rem3A_62 = arith.constant 3 : i32
    %rem3A_63 = arith.remsi %add3A_37, %rem3A_62 : i32
    %rem3A_64 = arith.constant 1 : i32
    %rem3A_65 = arith.constant 16 : i32
    %rem3A_66 = arith.remsi %rem3A_64, %rem3A_65 : i32
    %mul3A_67 = arith.constant 32 : i32
    %mul3A_68 = arith.muli %rem3A_66, %mul3A_67 : i32
    %dma_start3A_69 = arith.constant 0 : i32
    %dma_start3A_70 = tpu.memref_slice %arg2[%select_n3A_61, %rem3A_63, %mul3A_68, %dma_start3A_69] : memref<64x3x512x512xf32, #tpu.memory_space<hbm>> -> memref<1x1x32x512xf32, #tpu.memory_space<hbm>>
    %dma_start3A_71 = tpu.memref_squeeze %dma_start3A_70 : memref<1x1x32x512xf32, #tpu.memory_space<hbm>> -> memref<32x512xf32, #tpu.memory_space<hbm>>
    %dma_start3A_72 = arith.constant 0 : i32
    %dma_start3A_73 = tpu.memref_slice %arg2[%select_n3A_61, %rem3A_63, %mul3A_68, %dma_start3A_72] : memref<64x3x512x512xf32, #tpu.memory_space<hbm>> -> memref<1x1x32x512xf32, #tpu.memory_space<hbm>>
    %dma_start3A_74 = tpu.memref_squeeze %dma_start3A_73 : memref<1x1x32x512xf32, #tpu.memory_space<hbm>> -> memref<32x512xf32, #tpu.memory_space<hbm>>
    tpu.enqueue_dma source(%dma_start3A_74 : memref<32x512xf32, #tpu.memory_space<hbm>>) target(%arg8 : memref<32x512xf32, #tpu.memory_space<vmem>>) target_semaphore(%arg12 : memref<!tpu.dma_semaphore, #tpu.memory_space<semaphore_mem>>)
    %scan3A = arith.constant 0 : i32
    %scan3A_75 = arith.constant 0 : i32
    %scan3A_76 = arith.constant 48 : i32
    %scan3A_77 = arith.addi %scan3A_75, %scan3A_76 : i32
    %scan3A_78 = arith.constant 1 : i32
    %scan3A_79 = scf.for %scan3A_162 = %scan3A_75 to %scan3A_77 step %scan3A_78 iter_args(%scan3A_163 = %scan3A) -> (i32)  : i32 {
      %mul3A_164 = arith.constant 2 : i32
      %mul3A_165 = arith.muli %mul3A_164, %scan3A_162 : i32
      %add3A_166 = arith.constant 0 : i32
      %add3A_167 = arith.addi %mul3A_165, %add3A_166 : i32
      %mul3A_168 = arith.constant 6 : i32
      %mul3A_169 = arith.muli %add3A, %mul3A_168 : i32
      %jit3A_170 = arith.constant 16 : i32
      %div3A_171 = arith.divsi %add3A_167, %jit3A_170 : i32
      %sign3A_172 = arith.constant 0 : i32
      %sign3A_173 = arith.cmpi sgt, %add3A_167, %sign3A_172 : i32
      %sign3A_174 = arith.extui %sign3A_173 : i1 to i32
      %sign3A_175 = arith.constant 0 : i32
      %sign3A_176 = arith.cmpi slt, %add3A_167, %sign3A_175 : i32
      %sign3A_177 = arith.extui %sign3A_176 : i1 to i32
      %sign3A_178 = arith.subi %sign3A_174, %sign3A_177 : i32
      %sign3A_179 = arith.constant 0 : i32
      %sign3A_180 = arith.cmpi sgt, %jit3A_170, %sign3A_179 : i32
      %sign3A_181 = arith.extui %sign3A_180 : i1 to i32
      %sign3A_182 = arith.constant 0 : i32
      %sign3A_183 = arith.cmpi slt, %jit3A_170, %sign3A_182 : i32
      %sign3A_184 = arith.extui %sign3A_183 : i1 to i32
      %sign3A_185 = arith.subi %sign3A_181, %sign3A_184 : i32
      %ne3A_186 = arith.cmpi ne, %sign3A_178, %sign3A_185 : i32
      %rem3A_187 = arith.remsi %add3A_167, %jit3A_170 : i32
      %ne3A_188 = arith.constant 0 : i32
      %ne3A_189 = arith.cmpi ne, %rem3A_187, %ne3A_188 : i32
      %and3A_190 = arith.andi %ne3A_186, %ne3A_189 : i1
      %sub3A_191 = arith.constant 1 : i32
      %sub3A_192 = arith.subi %div3A_171, %sub3A_191 : i32
      %select_n3A_193 = arith.select %and3A_190, %sub3A_192, %div3A_171 : i32
      %add3A_194 = arith.addi %mul3A_169, %select_n3A_193 : i32
      %rem3A_195 = arith.constant 3 : i32
      %rem3A_196 = arith.remsi %add3A_194, %rem3A_195 : i32
      %mul3A_197 = arith.constant 257 : i32
      %mul3A_198 = arith.muli %rem3A_196, %mul3A_197 : i32
      %convert_element_type3A = arith.sitofp %mul3A_198 : i32 to f32
      %mul3A_199 = arith.constant 6 : i32
      %mul3A_200 = arith.muli %add3A, %mul3A_199 : i32
      %jit3A_201 = arith.constant 16 : i32
      %div3A_202 = arith.divsi %add3A_167, %jit3A_201 : i32
      %sign3A_203 = arith.constant 0 : i32
      %sign3A_204 = arith.cmpi sgt, %add3A_167, %sign3A_203 : i32
      %sign3A_205 = arith.extui %sign3A_204 : i1 to i32
      %sign3A_206 = arith.constant 0 : i32
      %sign3A_207 = arith.cmpi slt, %add3A_167, %sign3A_206 : i32
      %sign3A_208 = arith.extui %sign3A_207 : i1 to i32
      %sign3A_209 = arith.subi %sign3A_205, %sign3A_208 : i32
      %sign3A_210 = arith.constant 0 : i32
      %sign3A_211 = arith.cmpi sgt, %jit3A_201, %sign3A_210 : i32
      %sign3A_212 = arith.extui %sign3A_211 : i1 to i32
      %sign3A_213 = arith.constant 0 : i32
      %sign3A_214 = arith.cmpi slt, %jit3A_201, %sign3A_213 : i32
      %sign3A_215 = arith.extui %sign3A_214 : i1 to i32
      %sign3A_216 = arith.subi %sign3A_212, %sign3A_215 : i32
      %ne3A_217 = arith.cmpi ne, %sign3A_209, %sign3A_216 : i32
      %rem3A_218 = arith.remsi %add3A_167, %jit3A_201 : i32
      %ne3A_219 = arith.constant 0 : i32
      %ne3A_220 = arith.cmpi ne, %rem3A_218, %ne3A_219 : i32
      %and3A_221 = arith.andi %ne3A_217, %ne3A_220 : i1
      %sub3A_222 = arith.constant 1 : i32
      %sub3A_223 = arith.subi %div3A_202, %sub3A_222 : i32
      %select_n3A_224 = arith.select %and3A_221, %sub3A_223, %div3A_202 : i32
      %add3A_225 = arith.addi %mul3A_200, %select_n3A_224 : i32
      %jit3A_226 = arith.constant 3 : i32
      %div3A_227 = arith.divsi %add3A_225, %jit3A_226 : i32
      %sign3A_228 = arith.constant 0 : i32
      %sign3A_229 = arith.cmpi sgt, %add3A_225, %sign3A_228 : i32
      %sign3A_230 = arith.extui %sign3A_229 : i1 to i32
      %sign3A_231 = arith.constant 0 : i32
      %sign3A_232 = arith.cmpi slt, %add3A_225, %sign3A_231 : i32
      %sign3A_233 = arith.extui %sign3A_232 : i1 to i32
      %sign3A_234 = arith.subi %sign3A_230, %sign3A_233 : i32
      %sign3A_235 = arith.constant 0 : i32
      %sign3A_236 = arith.cmpi sgt, %jit3A_226, %sign3A_235 : i32
      %sign3A_237 = arith.extui %sign3A_236 : i1 to i32
      %sign3A_238 = arith.constant 0 : i32
      %sign3A_239 = arith.cmpi slt, %jit3A_226, %sign3A_238 : i32
      %sign3A_240 = arith.extui %sign3A_239 : i1 to i32
      %sign3A_241 = arith.subi %sign3A_237, %sign3A_240 : i32
      %ne3A_242 = arith.cmpi ne, %sign3A_234, %sign3A_241 : i32
      %rem3A_243 = arith.remsi %add3A_225, %jit3A_226 : i32
      %ne3A_244 = arith.constant 0 : i32
      %ne3A_245 = arith.cmpi ne, %rem3A_243, %ne3A_244 : i32
      %and3A_246 = arith.andi %ne3A_242, %ne3A_245 : i1
      %sub3A_247 = arith.constant 1 : i32
      %sub3A_248 = arith.subi %div3A_227, %sub3A_247 : i32
      %select_n3A_249 = arith.select %and3A_246, %sub3A_248, %div3A_227 : i32
      %rem3A_250 = arith.constant 3 : i32
      %rem3A_251 = arith.remsi %add3A_225, %rem3A_250 : i32
      %rem3A_252 = arith.constant 16 : i32
      %rem3A_253 = arith.remsi %add3A_167, %rem3A_252 : i32
      %mul3A_254 = arith.constant 32 : i32
      %mul3A_255 = arith.muli %rem3A_253, %mul3A_254 : i32
      %dma_wait3A_256 = arith.constant 0 : i32
      %dma_wait3A_257 = tpu.memref_slice %arg2[%select_n3A_249, %rem3A_251, %mul3A_255, %dma_wait3A_256] : memref<64x3x512x512xf32, #tpu.memory_space<hbm>> -> memref<1x1x32x512xf32, #tpu.memory_space<hbm>>
      %dma_wait3A_258 = tpu.memref_squeeze %dma_wait3A_257 : memref<1x1x32x512xf32, #tpu.memory_space<hbm>> -> memref<32x512xf32, #tpu.memory_space<hbm>>
      %dma_wait3A_259 = arith.constant 0 : i32
      %dma_wait3A_260 = tpu.memref_slice %arg2[%select_n3A_249, %rem3A_251, %mul3A_255, %dma_wait3A_259] : memref<64x3x512x512xf32, #tpu.memory_space<hbm>> -> memref<1x1x32x512xf32, #tpu.memory_space<hbm>>
      %dma_wait3A_261 = tpu.memref_squeeze %dma_wait3A_260 : memref<1x1x32x512xf32, #tpu.memory_space<hbm>> -> memref<32x512xf32, #tpu.memory_space<hbm>>
      tpu.wait_dma2 semaphore(%arg11 : memref<!tpu.dma_semaphore, #tpu.memory_space<semaphore_mem>>) src(%dma_wait3A_261 : memref<32x512xf32, #tpu.memory_space<hbm>>) dst(%arg7 : memref<32x512xf32, #tpu.memory_space<vmem>>)
      %ge3A = arith.constant 1 : i32
      %ge3A_262 = arith.cmpi sge, %scan3A_162, %ge3A : i32
      %convert_element_type3A_263 = arith.extui %ge3A_262 : i1 to i32
      %cond3A = arith.constant 0 : i32
      %cond3A_264 = arith.cmpi ne, %convert_element_type3A_263, %cond3A : i32
      scf.if %cond3A_264 {
        %mul3A_510 = arith.constant 6 : i32
        %mul3A_511 = arith.muli %add3A, %mul3A_510 : i32
        %jit3A_512 = arith.constant 16 : i32
        %div3A_513 = arith.divsi %add3A_167, %jit3A_512 : i32
        %sign3A_514 = arith.constant 0 : i32
        %sign3A_515 = arith.cmpi sgt, %add3A_167, %sign3A_514 : i32
        %sign3A_516 = arith.extui %sign3A_515 : i1 to i32
        %sign3A_517 = arith.constant 0 : i32
        %sign3A_518 = arith.cmpi slt, %add3A_167, %sign3A_517 : i32
        %sign3A_519 = arith.extui %sign3A_518 : i1 to i32
        %sign3A_520 = arith.subi %sign3A_516, %sign3A_519 : i32
        %sign3A_521 = arith.constant 0 : i32
        %sign3A_522 = arith.cmpi sgt, %jit3A_512, %sign3A_521 : i32
        %sign3A_523 = arith.extui %sign3A_522 : i1 to i32
        %sign3A_524 = arith.constant 0 : i32
        %sign3A_525 = arith.cmpi slt, %jit3A_512, %sign3A_524 : i32
        %sign3A_526 = arith.extui %sign3A_525 : i1 to i32
        %sign3A_527 = arith.subi %sign3A_523, %sign3A_526 : i32
        %ne3A_528 = arith.cmpi ne, %sign3A_520, %sign3A_527 : i32
        %rem3A_529 = arith.remsi %add3A_167, %jit3A_512 : i32
        %ne3A_530 = arith.constant 0 : i32
        %ne3A_531 = arith.cmpi ne, %rem3A_529, %ne3A_530 : i32
        %and3A_532 = arith.andi %ne3A_528, %ne3A_531 : i1
        %sub3A_533 = arith.constant 1 : i32
        %sub3A_534 = arith.subi %div3A_513, %sub3A_533 : i32
        %select_n3A_535 = arith.select %and3A_532, %sub3A_534, %div3A_513 : i32
        %add3A_536 = arith.addi %mul3A_511, %select_n3A_535 : i32
        %jit3A_537 = arith.constant 3 : i32
        %div3A_538 = arith.divsi %add3A_536, %jit3A_537 : i32
        %sign3A_539 = arith.constant 0 : i32
        %sign3A_540 = arith.cmpi sgt, %add3A_536, %sign3A_539 : i32
        %sign3A_541 = arith.extui %sign3A_540 : i1 to i32
        %sign3A_542 = arith.constant 0 : i32
        %sign3A_543 = arith.cmpi slt, %add3A_536, %sign3A_542 : i32
        %sign3A_544 = arith.extui %sign3A_543 : i1 to i32
        %sign3A_545 = arith.subi %sign3A_541, %sign3A_544 : i32
        %sign3A_546 = arith.constant 0 : i32
        %sign3A_547 = arith.cmpi sgt, %jit3A_537, %sign3A_546 : i32
        %sign3A_548 = arith.extui %sign3A_547 : i1 to i32
        %sign3A_549 = arith.constant 0 : i32
        %sign3A_550 = arith.cmpi slt, %jit3A_537, %sign3A_549 : i32
        %sign3A_551 = arith.extui %sign3A_550 : i1 to i32
        %sign3A_552 = arith.subi %sign3A_548, %sign3A_551 : i32
        %ne3A_553 = arith.cmpi ne, %sign3A_545, %sign3A_552 : i32
        %rem3A_554 = arith.remsi %add3A_536, %jit3A_537 : i32
        %ne3A_555 = arith.constant 0 : i32
        %ne3A_556 = arith.cmpi ne, %rem3A_554, %ne3A_555 : i32
        %and3A_557 = arith.andi %ne3A_553, %ne3A_556 : i1
        %sub3A_558 = arith.constant 1 : i32
        %sub3A_559 = arith.subi %div3A_538, %sub3A_558 : i32
        %select_n3A_560 = arith.select %and3A_557, %sub3A_559, %div3A_538 : i32
        %rem3A_561 = arith.constant 3 : i32
        %rem3A_562 = arith.remsi %add3A_536, %rem3A_561 : i32
        %rem3A_563 = arith.constant 16 : i32
        %rem3A_564 = arith.remsi %add3A_167, %rem3A_563 : i32
        %mul3A_565 = arith.constant 32 : i32
        %mul3A_566 = arith.muli %rem3A_564, %mul3A_565 : i32
        %dma_wait3A_567 = arith.constant 0 : i32
        %dma_wait3A_568 = tpu.memref_slice %arg4[%select_n3A_560, %rem3A_562, %mul3A_566, %dma_wait3A_567] : memref<64x3x512x512xf32, #tpu.memory_space<hbm>> -> memref<1x1x32x512xf32, #tpu.memory_space<hbm>>
        %dma_wait3A_569 = tpu.memref_squeeze %dma_wait3A_568 : memref<1x1x32x512xf32, #tpu.memory_space<hbm>> -> memref<32x512xf32, #tpu.memory_space<hbm>>
        %dma_wait3A_570 = arith.constant 0 : i32
        %dma_wait3A_571 = tpu.memref_slice %arg4[%select_n3A_560, %rem3A_562, %mul3A_566, %dma_wait3A_570] : memref<64x3x512x512xf32, #tpu.memory_space<hbm>> -> memref<1x1x32x512xf32, #tpu.memory_space<hbm>>
        %dma_wait3A_572 = tpu.memref_squeeze %dma_wait3A_571 : memref<1x1x32x512xf32, #tpu.memory_space<hbm>> -> memref<32x512xf32, #tpu.memory_space<hbm>>
        tpu.wait_dma2 semaphore(%arg13 : memref<!tpu.dma_semaphore, #tpu.memory_space<semaphore_mem>>) src(%arg9 : memref<32x512xf32, #tpu.memory_space<vmem>>) dst(%dma_wait3A_572 : memref<32x512xf32, #tpu.memory_space<hbm>>)
      } else {
      }
      %parallel_loop3A = arith.constant 0 : i32
      %parallel_loop3A_265 = arith.constant 1024 : i32
      %parallel_loop3A_266 = arith.constant 1 : i32
      scf.for %parallel_loop3A_510 = %parallel_loop3A to %parallel_loop3A_265 step %parallel_loop3A_266  : i32 {
        %parallel_loop3A_511 = arith.constant 32 : i32
        %parallel_loop3A_512 = arith.divsi %parallel_loop3A_510, %parallel_loop3A_511 : i32
        %parallel_loop3A_513 = arith.constant 0 : i32
        %parallel_loop3A_514 = arith.cmpi sgt, %parallel_loop3A_510, %parallel_loop3A_513 : i32
        %parallel_loop3A_515 = arith.extui %parallel_loop3A_514 : i1 to i32
        %parallel_loop3A_516 = arith.constant 0 : i32
        %parallel_loop3A_517 = arith.cmpi slt, %parallel_loop3A_510, %parallel_loop3A_516 : i32
        %parallel_loop3A_518 = arith.extui %parallel_loop3A_517 : i1 to i32
        %parallel_loop3A_519 = arith.subi %parallel_loop3A_515, %parallel_loop3A_518 : i32
        %parallel_loop3A_520 = arith.constant 0 : i32
        %parallel_loop3A_521 = arith.cmpi sgt, %parallel_loop3A_511, %parallel_loop3A_520 : i32
        %parallel_loop3A_522 = arith.extui %parallel_loop3A_521 : i1 to i32
        %parallel_loop3A_523 = arith.constant 0 : i32
        %parallel_loop3A_524 = arith.cmpi slt, %parallel_loop3A_511, %parallel_loop3A_523 : i32
        %parallel_loop3A_525 = arith.extui %parallel_loop3A_524 : i1 to i32
        %parallel_loop3A_526 = arith.subi %parallel_loop3A_522, %parallel_loop3A_525 : i32
        %parallel_loop3A_527 = arith.cmpi ne, %parallel_loop3A_519, %parallel_loop3A_526 : i32
        %parallel_loop3A_528 = arith.remsi %parallel_loop3A_510, %parallel_loop3A_511 : i32
        %parallel_loop3A_529 = arith.constant 0 : i32
        %parallel_loop3A_530 = arith.cmpi ne, %parallel_loop3A_528, %parallel_loop3A_529 : i32
        %parallel_loop3A_531 = arith.andi %parallel_loop3A_527, %parallel_loop3A_530 : i1
        %parallel_loop3A_532 = arith.constant 1 : i32
        %parallel_loop3A_533 = arith.subi %parallel_loop3A_512, %parallel_loop3A_532 : i32
        %parallel_loop3A_534 = arith.select %parallel_loop3A_531, %parallel_loop3A_533, %parallel_loop3A_512 : i32
        %parallel_loop3A_535 = arith.constant 32 : i32
        %parallel_loop3A_536 = arith.remsi %parallel_loop3A_510, %parallel_loop3A_535 : i32
        %parallel_loop3A_537 = arith.constant 16 : i32
        %parallel_loop3A_538 = arith.muli %parallel_loop3A_536, %parallel_loop3A_537 : i32
        %parallel_loop3A_539 = arith.index_cast %parallel_loop3A_534 : i32 to index
        %parallel_loop3A_540 = arith.index_cast %parallel_loop3A_538 : i32 to index
        %parallel_loop3A_541 = tpu.vector_load %arg7[%parallel_loop3A_539, %parallel_loop3A_540] {strides = array<i32>} : memref<32x512xf32, #tpu.memory_space<vmem>>, vector<16xf32>,
        %parallel_loop3A_542 = arith.constant 2.550000e+02 : f32
        %parallel_loop3A_543 = vector.broadcast %parallel_loop3A_542 : f32 to vector<16xf32>
        %parallel_loop3A_544 = arith.mulf %parallel_loop3A_541, %parallel_loop3A_543 : vector<16xf32>
        %parallel_loop3A_545 = vector.broadcast %convert_element_type3A : f32 to vector<16xf32>
        %parallel_loop3A_546 = arith.addf %parallel_loop3A_544, %parallel_loop3A_545 : vector<16xf32>
        %parallel_loop3A_547 = arith.fptosi %parallel_loop3A_546 : vector<16xf32> to vector<16xi32>
        %parallel_loop3A_548 = arith.sitofp %parallel_loop3A_547 : vector<16xi32> to vector<16xf32>
        %parallel_loop3A_549 = arith.subf %parallel_loop3A_546, %parallel_loop3A_548 : vector<16xf32>
        %parallel_loop3A_550 = tpu.vector_load_idx %arg5[%parallel_loop3A_547] : memref<784xf32, #tpu.memory_space<vmem>>[vector<16xi32>], vector<16xf32>,
        %parallel_loop3A_551 = tpu.vector_load_idx %arg6[%parallel_loop3A_547] : memref<784xf32, #tpu.memory_space<vmem>>[vector<16xi32>], vector<16xf32>,
        %parallel_loop3A_552 = arith.mulf %parallel_loop3A_549, %parallel_loop3A_551 : vector<16xf32>
        %parallel_loop3A_553 = arith.addf %parallel_loop3A_550, %parallel_loop3A_552 : vector<16xf32>
        %parallel_loop3A_554 = arith.index_cast %parallel_loop3A_534 : i32 to index
        %parallel_loop3A_555 = arith.index_cast %parallel_loop3A_538 : i32 to index
        %parallel_loop3A_556 = tpu.vector_load %arg9[%parallel_loop3A_554, %parallel_loop3A_555] {strides = array<i32>} : memref<32x512xf32, #tpu.memory_space<vmem>>, vector<16xf32>,
        tpu.vector_store %arg9[%parallel_loop3A_554, %parallel_loop3A_555], %parallel_loop3A_553 {strides = array<i32>} : memref<32x512xf32, #tpu.memory_space<vmem>>, vector<16xf32>,
      } {sc.loop_unroll_factor = 8 : i64, sc.parallel_access}
      %mul3A_267 = arith.constant 6 : i32
      %mul3A_268 = arith.muli %add3A, %mul3A_267 : i32
      %jit3A_269 = arith.constant 16 : i32
      %div3A_270 = arith.divsi %add3A_167, %jit3A_269 : i32
      %sign3A_271 = arith.constant 0 : i32
      %sign3A_272 = arith.cmpi sgt, %add3A_167, %sign3A_271 : i32
      %sign3A_273 = arith.extui %sign3A_272 : i1 to i32
      %sign3A_274 = arith.constant 0 : i32
      %sign3A_275 = arith.cmpi slt, %add3A_167, %sign3A_274 : i32
      %sign3A_276 = arith.extui %sign3A_275 : i1 to i32
      %sign3A_277 = arith.subi %sign3A_273, %sign3A_276 : i32
      %sign3A_278 = arith.constant 0 : i32
      %sign3A_279 = arith.cmpi sgt, %jit3A_269, %sign3A_278 : i32
      %sign3A_280 = arith.extui %sign3A_279 : i1 to i32
      %sign3A_281 = arith.constant 0 : i32
      %sign3A_282 = arith.cmpi slt, %jit3A_269, %sign3A_281 : i32
      %sign3A_283 = arith.extui %sign3A_282 : i1 to i32
      %sign3A_284 = arith.subi %sign3A_280, %sign3A_283 : i32
      %ne3A_285 = arith.cmpi ne, %sign3A_277, %sign3A_284 : i32
      %rem3A_286 = arith.remsi %add3A_167, %jit3A_269 : i32
      %ne3A_287 = arith.constant 0 : i32
      %ne3A_288 = arith.cmpi ne, %rem3A_286, %ne3A_287 : i32
      %and3A_289 = arith.andi %ne3A_285, %ne3A_288 : i1
      %sub3A_290 = arith.constant 1 : i32
      %sub3A_291 = arith.subi %div3A_270, %sub3A_290 : i32
      %select_n3A_292 = arith.select %and3A_289, %sub3A_291, %div3A_270 : i32
      %add3A_293 = arith.addi %mul3A_268, %select_n3A_292 : i32
      %jit3A_294 = arith.constant 3 : i32
      %div3A_295 = arith.divsi %add3A_293, %jit3A_294 : i32
      %sign3A_296 = arith.constant 0 : i32
      %sign3A_297 = arith.cmpi sgt, %add3A_293, %sign3A_296 : i32
      %sign3A_298 = arith.extui %sign3A_297 : i1 to i32
      %sign3A_299 = arith.constant 0 : i32
      %sign3A_300 = arith.cmpi slt, %add3A_293, %sign3A_299 : i32
      %sign3A_301 = arith.extui %sign3A_300 : i1 to i32
      %sign3A_302 = arith.subi %sign3A_298, %sign3A_301 : i32
      %sign3A_303 = arith.constant 0 : i32
      %sign3A_304 = arith.cmpi sgt, %jit3A_294, %sign3A_303 : i32
      %sign3A_305 = arith.extui %sign3A_304 : i1 to i32
      %sign3A_306 = arith.constant 0 : i32
      %sign3A_307 = arith.cmpi slt, %jit3A_294, %sign3A_306 : i32
      %sign3A_308 = arith.extui %sign3A_307 : i1 to i32
      %sign3A_309 = arith.subi %sign3A_305, %sign3A_308 : i32
      %ne3A_310 = arith.cmpi ne, %sign3A_302, %sign3A_309 : i32
      %rem3A_311 = arith.remsi %add3A_293, %jit3A_294 : i32
      %ne3A_312 = arith.constant 0 : i32
      %ne3A_313 = arith.cmpi ne, %rem3A_311, %ne3A_312 : i32
      %and3A_314 = arith.andi %ne3A_310, %ne3A_313 : i1
      %sub3A_315 = arith.constant 1 : i32
      %sub3A_316 = arith.subi %div3A_295, %sub3A_315 : i32
      %select_n3A_317 = arith.select %and3A_314, %sub3A_316, %div3A_295 : i32
      %rem3A_318 = arith.constant 3 : i32
      %rem3A_319 = arith.remsi %add3A_293, %rem3A_318 : i32
      %rem3A_320 = arith.constant 16 : i32
      %rem3A_321 = arith.remsi %add3A_167, %rem3A_320 : i32
      %mul3A_322 = arith.constant 32 : i32
      %mul3A_323 = arith.muli %rem3A_321, %mul3A_322 : i32
      %dma_start3A_324 = arith.constant 0 : i32
      %dma_start3A_325 = tpu.memref_slice %arg4[%select_n3A_317, %rem3A_319, %mul3A_323, %dma_start3A_324] : memref<64x3x512x512xf32, #tpu.memory_space<hbm>> -> memref<1x1x32x512xf32, #tpu.memory_space<hbm>>
      %dma_start3A_326 = tpu.memref_squeeze %dma_start3A_325 : memref<1x1x32x512xf32, #tpu.memory_space<hbm>> -> memref<32x512xf32, #tpu.memory_space<hbm>>
      %dma_start3A_327 = arith.constant 0 : i32
      %dma_start3A_328 = tpu.memref_slice %arg4[%select_n3A_317, %rem3A_319, %mul3A_323, %dma_start3A_327] : memref<64x3x512x512xf32, #tpu.memory_space<hbm>> -> memref<1x1x32x512xf32, #tpu.memory_space<hbm>>
      %dma_start3A_329 = tpu.memref_squeeze %dma_start3A_328 : memref<1x1x32x512xf32, #tpu.memory_space<hbm>> -> memref<32x512xf32, #tpu.memory_space<hbm>>
      tpu.enqueue_dma source(%arg9 : memref<32x512xf32, #tpu.memory_space<vmem>>) target(%dma_start3A_329 : memref<32x512xf32, #tpu.memory_space<hbm>>) target_semaphore(%arg13 : memref<!tpu.dma_semaphore, #tpu.memory_space<semaphore_mem>>)
      %le3A = arith.constant 46 : i32
      %le3A_330 = arith.cmpi sle, %scan3A_162, %le3A : i32
      %convert_element_type3A_331 = arith.extui %le3A_330 : i1 to i32
      %cond3A_332 = arith.constant 0 : i32
      %cond3A_333 = arith.cmpi ne, %convert_element_type3A_331, %cond3A_332 : i32
      scf.if %cond3A_333 {
        %add3A_510 = arith.constant 2 : i32
        %add3A_511 = arith.addi %add3A_167, %add3A_510 : i32
        %mul3A_512 = arith.constant 6 : i32
        %mul3A_513 = arith.muli %add3A, %mul3A_512 : i32
        %jit3A_514 = arith.constant 16 : i32
        %div3A_515 = arith.divsi %add3A_511, %jit3A_514 : i32
        %sign3A_516 = arith.constant 0 : i32
        %sign3A_517 = arith.cmpi sgt, %add3A_511, %sign3A_516 : i32
        %sign3A_518 = arith.extui %sign3A_517 : i1 to i32
        %sign3A_519 = arith.constant 0 : i32
        %sign3A_520 = arith.cmpi slt, %add3A_511, %sign3A_519 : i32
        %sign3A_521 = arith.extui %sign3A_520 : i1 to i32
        %sign3A_522 = arith.subi %sign3A_518, %sign3A_521 : i32
        %sign3A_523 = arith.constant 0 : i32
        %sign3A_524 = arith.cmpi sgt, %jit3A_514, %sign3A_523 : i32
        %sign3A_525 = arith.extui %sign3A_524 : i1 to i32
        %sign3A_526 = arith.constant 0 : i32
        %sign3A_527 = arith.cmpi slt, %jit3A_514, %sign3A_526 : i32
        %sign3A_528 = arith.extui %sign3A_527 : i1 to i32
        %sign3A_529 = arith.subi %sign3A_525, %sign3A_528 : i32
        %ne3A_530 = arith.cmpi ne, %sign3A_522, %sign3A_529 : i32
        %rem3A_531 = arith.remsi %add3A_511, %jit3A_514 : i32
        %ne3A_532 = arith.constant 0 : i32
        %ne3A_533 = arith.cmpi ne, %rem3A_531, %ne3A_532 : i32
        %and3A_534 = arith.andi %ne3A_530, %ne3A_533 : i1
        %sub3A_535 = arith.constant 1 : i32
        %sub3A_536 = arith.subi %div3A_515, %sub3A_535 : i32
        %select_n3A_537 = arith.select %and3A_534, %sub3A_536, %div3A_515 : i32
        %add3A_538 = arith.addi %mul3A_513, %select_n3A_537 : i32
        %jit3A_539 = arith.constant 3 : i32
        %div3A_540 = arith.divsi %add3A_538, %jit3A_539 : i32
        %sign3A_541 = arith.constant 0 : i32
        %sign3A_542 = arith.cmpi sgt, %add3A_538, %sign3A_541 : i32
        %sign3A_543 = arith.extui %sign3A_542 : i1 to i32
        %sign3A_544 = arith.constant 0 : i32
        %sign3A_545 = arith.cmpi slt, %add3A_538, %sign3A_544 : i32
        %sign3A_546 = arith.extui %sign3A_545 : i1 to i32
        %sign3A_547 = arith.subi %sign3A_543, %sign3A_546 : i32
        %sign3A_548 = arith.constant 0 : i32
        %sign3A_549 = arith.cmpi sgt, %jit3A_539, %sign3A_548 : i32
        %sign3A_550 = arith.extui %sign3A_549 : i1 to i32
        %sign3A_551 = arith.constant 0 : i32
        %sign3A_552 = arith.cmpi slt, %jit3A_539, %sign3A_551 : i32
        %sign3A_553 = arith.extui %sign3A_552 : i1 to i32
        %sign3A_554 = arith.subi %sign3A_550, %sign3A_553 : i32
        %ne3A_555 = arith.cmpi ne, %sign3A_547, %sign3A_554 : i32
        %rem3A_556 = arith.remsi %add3A_538, %jit3A_539 : i32
        %ne3A_557 = arith.constant 0 : i32
        %ne3A_558 = arith.cmpi ne, %rem3A_556, %ne3A_557 : i32
        %and3A_559 = arith.andi %ne3A_555, %ne3A_558 : i1
        %sub3A_560 = arith.constant 1 : i32
        %sub3A_561 = arith.subi %div3A_540, %sub3A_560 : i32
        %select_n3A_562 = arith.select %and3A_559, %sub3A_561, %div3A_540 : i32
        %rem3A_563 = arith.constant 3 : i32
        %rem3A_564 = arith.remsi %add3A_538, %rem3A_563 : i32
        %rem3A_565 = arith.constant 16 : i32
        %rem3A_566 = arith.remsi %add3A_511, %rem3A_565 : i32
        %mul3A_567 = arith.constant 32 : i32
        %mul3A_568 = arith.muli %rem3A_566, %mul3A_567 : i32
        %dma_start3A_569 = arith.constant 0 : i32
        %dma_start3A_570 = tpu.memref_slice %arg2[%select_n3A_562, %rem3A_564, %mul3A_568, %dma_start3A_569] : memref<64x3x512x512xf32, #tpu.memory_space<hbm>> -> memref<1x1x32x512xf32, #tpu.memory_space<hbm>>
        %dma_start3A_571 = tpu.memref_squeeze %dma_start3A_570 : memref<1x1x32x512xf32, #tpu.memory_space<hbm>> -> memref<32x512xf32, #tpu.memory_space<hbm>>
        %dma_start3A_572 = arith.constant 0 : i32
        %dma_start3A_573 = tpu.memref_slice %arg2[%select_n3A_562, %rem3A_564, %mul3A_568, %dma_start3A_572] : memref<64x3x512x512xf32, #tpu.memory_space<hbm>> -> memref<1x1x32x512xf32, #tpu.memory_space<hbm>>
        %dma_start3A_574 = tpu.memref_squeeze %dma_start3A_573 : memref<1x1x32x512xf32, #tpu.memory_space<hbm>> -> memref<32x512xf32, #tpu.memory_space<hbm>>
        tpu.enqueue_dma source(%dma_start3A_574 : memref<32x512xf32, #tpu.memory_space<hbm>>) target(%arg7 : memref<32x512xf32, #tpu.memory_space<vmem>>) target_semaphore(%arg11 : memref<!tpu.dma_semaphore, #tpu.memory_space<semaphore_mem>>)
      } else {
      }
      %mul3A_334 = arith.constant 2 : i32
      %mul3A_335 = arith.muli %mul3A_334, %scan3A_162 : i32
      %add3A_336 = arith.constant 1 : i32
      %add3A_337 = arith.addi %mul3A_335, %add3A_336 : i32
      %mul3A_338 = arith.constant 6 : i32
      %mul3A_339 = arith.muli %add3A, %mul3A_338 : i32
      %jit3A_340 = arith.constant 16 : i32
      %div3A_341 = arith.divsi %add3A_337, %jit3A_340 : i32
      %sign3A_342 = arith.constant 0 : i32
      %sign3A_343 = arith.cmpi sgt, %add3A_337, %sign3A_342 : i32
      %sign3A_344 = arith.extui %sign3A_343 : i1 to i32
      %sign3A_345 = arith.constant 0 : i32
      %sign3A_346 = arith.cmpi slt, %add3A_337, %sign3A_345 : i32
      %sign3A_347 = arith.extui %sign3A_346 : i1 to i32
      %sign3A_348 = arith.subi %sign3A_344, %sign3A_347 : i32
      %sign3A_349 = arith.constant 0 : i32
      %sign3A_350 = arith.cmpi sgt, %jit3A_340, %sign3A_349 : i32
      %sign3A_351 = arith.extui %sign3A_350 : i1 to i32
      %sign3A_352 = arith.constant 0 : i32
      %sign3A_353 = arith.cmpi slt, %jit3A_340, %sign3A_352 : i32
      %sign3A_354 = arith.extui %sign3A_353 : i1 to i32
      %sign3A_355 = arith.subi %sign3A_351, %sign3A_354 : i32
      %ne3A_356 = arith.cmpi ne, %sign3A_348, %sign3A_355 : i32
      %rem3A_357 = arith.remsi %add3A_337, %jit3A_340 : i32
      %ne3A_358 = arith.constant 0 : i32
      %ne3A_359 = arith.cmpi ne, %rem3A_357, %ne3A_358 : i32
      %and3A_360 = arith.andi %ne3A_356, %ne3A_359 : i1
      %sub3A_361 = arith.constant 1 : i32
      %sub3A_362 = arith.subi %div3A_341, %sub3A_361 : i32
      %select_n3A_363 = arith.select %and3A_360, %sub3A_362, %div3A_341 : i32
      %add3A_364 = arith.addi %mul3A_339, %select_n3A_363 : i32
      %rem3A_365 = arith.constant 3 : i32
      %rem3A_366 = arith.remsi %add3A_364, %rem3A_365 : i32
      %mul3A_367 = arith.constant 257 : i32
      %mul3A_368 = arith.muli %rem3A_366, %mul3A_367 : i32
      %convert_element_type3A_369 = arith.sitofp %mul3A_368 : i32 to f32
      %mul3A_370 = arith.constant 6 : i32
      %mul3A_371 = arith.muli %add3A, %mul3A_370 : i32
      %jit3A_372 = arith.constant 16 : i32
      %div3A_373 = arith.divsi %add3A_337, %jit3A_372 : i32
      %sign3A_374 = arith.constant 0 : i32
      %sign3A_375 = arith.cmpi sgt, %add3A_337, %sign3A_374 : i32
      %sign3A_376 = arith.extui %sign3A_375 : i1 to i32
      %sign3A_377 = arith.constant 0 : i32
      %sign3A_378 = arith.cmpi slt, %add3A_337, %sign3A_377 : i32
      %sign3A_379 = arith.extui %sign3A_378 : i1 to i32
      %sign3A_380 = arith.subi %sign3A_376, %sign3A_379 : i32
      %sign3A_381 = arith.constant 0 : i32
      %sign3A_382 = arith.cmpi sgt, %jit3A_372, %sign3A_381 : i32
      %sign3A_383 = arith.extui %sign3A_382 : i1 to i32
      %sign3A_384 = arith.constant 0 : i32
      %sign3A_385 = arith.cmpi slt, %jit3A_372, %sign3A_384 : i32
      %sign3A_386 = arith.extui %sign3A_385 : i1 to i32
      %sign3A_387 = arith.subi %sign3A_383, %sign3A_386 : i32
      %ne3A_388 = arith.cmpi ne, %sign3A_380, %sign3A_387 : i32
      %rem3A_389 = arith.remsi %add3A_337, %jit3A_372 : i32
      %ne3A_390 = arith.constant 0 : i32
      %ne3A_391 = arith.cmpi ne, %rem3A_389, %ne3A_390 : i32
      %and3A_392 = arith.andi %ne3A_388, %ne3A_391 : i1
      %sub3A_393 = arith.constant 1 : i32
      %sub3A_394 = arith.subi %div3A_373, %sub3A_393 : i32
      %select_n3A_395 = arith.select %and3A_392, %sub3A_394, %div3A_373 : i32
      %add3A_396 = arith.addi %mul3A_371, %select_n3A_395 : i32
      %jit3A_397 = arith.constant 3 : i32
      %div3A_398 = arith.divsi %add3A_396, %jit3A_397 : i32
      %sign3A_399 = arith.constant 0 : i32
      %sign3A_400 = arith.cmpi sgt, %add3A_396, %sign3A_399 : i32
      %sign3A_401 = arith.extui %sign3A_400 : i1 to i32
      %sign3A_402 = arith.constant 0 : i32
      %sign3A_403 = arith.cmpi slt, %add3A_396, %sign3A_402 : i32
      %sign3A_404 = arith.extui %sign3A_403 : i1 to i32
      %sign3A_405 = arith.subi %sign3A_401, %sign3A_404 : i32
      %sign3A_406 = arith.constant 0 : i32
      %sign3A_407 = arith.cmpi sgt, %jit3A_397, %sign3A_406 : i32
      %sign3A_408 = arith.extui %sign3A_407 : i1 to i32
      %sign3A_409 = arith.constant 0 : i32
      %sign3A_410 = arith.cmpi slt, %jit3A_397, %sign3A_409 : i32
      %sign3A_411 = arith.extui %sign3A_410 : i1 to i32
      %sign3A_412 = arith.subi %sign3A_408, %sign3A_411 : i32
      %ne3A_413 = arith.cmpi ne, %sign3A_405, %sign3A_412 : i32
      %rem3A_414 = arith.remsi %add3A_396, %jit3A_397 : i32
      %ne3A_415 = arith.constant 0 : i32
      %ne3A_416 = arith.cmpi ne, %rem3A_414, %ne3A_415 : i32
      %and3A_417 = arith.andi %ne3A_413, %ne3A_416 : i1
      %sub3A_418 = arith.constant 1 : i32
      %sub3A_419 = arith.subi %div3A_398, %sub3A_418 : i32
      %select_n3A_420 = arith.select %and3A_417, %sub3A_419, %div3A_398 : i32
      %rem3A_421 = arith.constant 3 : i32
      %rem3A_422 = arith.remsi %add3A_396, %rem3A_421 : i32
      %rem3A_423 = arith.constant 16 : i32
      %rem3A_424 = arith.remsi %add3A_337, %rem3A_423 : i32
      %mul3A_425 = arith.constant 32 : i32
      %mul3A_426 = arith.muli %rem3A_424, %mul3A_425 : i32
      %dma_wait3A_427 = arith.constant 0 : i32
      %dma_wait3A_428 = tpu.memref_slice %arg2[%select_n3A_420, %rem3A_422, %mul3A_426, %dma_wait3A_427] : memref<64x3x512x512xf32, #tpu.memory_space<hbm>> -> memref<1x1x32x512xf32, #tpu.memory_space<hbm>>
      %dma_wait3A_429 = tpu.memref_squeeze %dma_wait3A_428 : memref<1x1x32x512xf32, #tpu.memory_space<hbm>> -> memref<32x512xf32, #tpu.memory_space<hbm>>
      %dma_wait3A_430 = arith.constant 0 : i32
      %dma_wait3A_431 = tpu.memref_slice %arg2[%select_n3A_420, %rem3A_422, %mul3A_426, %dma_wait3A_430] : memref<64x3x512x512xf32, #tpu.memory_space<hbm>> -> memref<1x1x32x512xf32, #tpu.memory_space<hbm>>
      %dma_wait3A_432 = tpu.memref_squeeze %dma_wait3A_431 : memref<1x1x32x512xf32, #tpu.memory_space<hbm>> -> memref<32x512xf32, #tpu.memory_space<hbm>>
      tpu.wait_dma2 semaphore(%arg12 : memref<!tpu.dma_semaphore, #tpu.memory_space<semaphore_mem>>) src(%dma_wait3A_432 : memref<32x512xf32, #tpu.memory_space<hbm>>) dst(%arg8 : memref<32x512xf32, #tpu.memory_space<vmem>>)
      %ge3A_433 = arith.constant 1 : i32
      %ge3A_434 = arith.cmpi sge, %scan3A_162, %ge3A_433 : i32
      %convert_element_type3A_435 = arith.extui %ge3A_434 : i1 to i32
      %cond3A_436 = arith.constant 0 : i32
      %cond3A_437 = arith.cmpi ne, %convert_element_type3A_435, %cond3A_436 : i32
      scf.if %cond3A_437 {
        %mul3A_510 = arith.constant 6 : i32
        %mul3A_511 = arith.muli %add3A, %mul3A_510 : i32
        %jit3A_512 = arith.constant 16 : i32
        %div3A_513 = arith.divsi %add3A_337, %jit3A_512 : i32
        %sign3A_514 = arith.constant 0 : i32
        %sign3A_515 = arith.cmpi sgt, %add3A_337, %sign3A_514 : i32
        %sign3A_516 = arith.extui %sign3A_515 : i1 to i32
        %sign3A_517 = arith.constant 0 : i32
        %sign3A_518 = arith.cmpi slt, %add3A_337, %sign3A_517 : i32
        %sign3A_519 = arith.extui %sign3A_518 : i1 to i32
        %sign3A_520 = arith.subi %sign3A_516, %sign3A_519 : i32
        %sign3A_521 = arith.constant 0 : i32
        %sign3A_522 = arith.cmpi sgt, %jit3A_512, %sign3A_521 : i32
        %sign3A_523 = arith.extui %sign3A_522 : i1 to i32
        %sign3A_524 = arith.constant 0 : i32
        %sign3A_525 = arith.cmpi slt, %jit3A_512, %sign3A_524 : i32
        %sign3A_526 = arith.extui %sign3A_525 : i1 to i32
        %sign3A_527 = arith.subi %sign3A_523, %sign3A_526 : i32
        %ne3A_528 = arith.cmpi ne, %sign3A_520, %sign3A_527 : i32
        %rem3A_529 = arith.remsi %add3A_337, %jit3A_512 : i32
        %ne3A_530 = arith.constant 0 : i32
        %ne3A_531 = arith.cmpi ne, %rem3A_529, %ne3A_530 : i32
        %and3A_532 = arith.andi %ne3A_528, %ne3A_531 : i1
        %sub3A_533 = arith.constant 1 : i32
        %sub3A_534 = arith.subi %div3A_513, %sub3A_533 : i32
        %select_n3A_535 = arith.select %and3A_532, %sub3A_534, %div3A_513 : i32
        %add3A_536 = arith.addi %mul3A_511, %select_n3A_535 : i32
        %jit3A_537 = arith.constant 3 : i32
        %div3A_538 = arith.divsi %add3A_536, %jit3A_537 : i32
        %sign3A_539 = arith.constant 0 : i32
        %sign3A_540 = arith.cmpi sgt, %add3A_536, %sign3A_539 : i32
        %sign3A_541 = arith.extui %sign3A_540 : i1 to i32
        %sign3A_542 = arith.constant 0 : i32
        %sign3A_543 = arith.cmpi slt, %add3A_536, %sign3A_542 : i32
        %sign3A_544 = arith.extui %sign3A_543 : i1 to i32
        %sign3A_545 = arith.subi %sign3A_541, %sign3A_544 : i32
        %sign3A_546 = arith.constant 0 : i32
        %sign3A_547 = arith.cmpi sgt, %jit3A_537, %sign3A_546 : i32
        %sign3A_548 = arith.extui %sign3A_547 : i1 to i32
        %sign3A_549 = arith.constant 0 : i32
        %sign3A_550 = arith.cmpi slt, %jit3A_537, %sign3A_549 : i32
        %sign3A_551 = arith.extui %sign3A_550 : i1 to i32
        %sign3A_552 = arith.subi %sign3A_548, %sign3A_551 : i32
        %ne3A_553 = arith.cmpi ne, %sign3A_545, %sign3A_552 : i32
        %rem3A_554 = arith.remsi %add3A_536, %jit3A_537 : i32
        %ne3A_555 = arith.constant 0 : i32
        %ne3A_556 = arith.cmpi ne, %rem3A_554, %ne3A_555 : i32
        %and3A_557 = arith.andi %ne3A_553, %ne3A_556 : i1
        %sub3A_558 = arith.constant 1 : i32
        %sub3A_559 = arith.subi %div3A_538, %sub3A_558 : i32
        %select_n3A_560 = arith.select %and3A_557, %sub3A_559, %div3A_538 : i32
        %rem3A_561 = arith.constant 3 : i32
        %rem3A_562 = arith.remsi %add3A_536, %rem3A_561 : i32
        %rem3A_563 = arith.constant 16 : i32
        %rem3A_564 = arith.remsi %add3A_337, %rem3A_563 : i32
        %mul3A_565 = arith.constant 32 : i32
        %mul3A_566 = arith.muli %rem3A_564, %mul3A_565 : i32
        %dma_wait3A_567 = arith.constant 0 : i32
        %dma_wait3A_568 = tpu.memref_slice %arg4[%select_n3A_560, %rem3A_562, %mul3A_566, %dma_wait3A_567] : memref<64x3x512x512xf32, #tpu.memory_space<hbm>> -> memref<1x1x32x512xf32, #tpu.memory_space<hbm>>
        %dma_wait3A_569 = tpu.memref_squeeze %dma_wait3A_568 : memref<1x1x32x512xf32, #tpu.memory_space<hbm>> -> memref<32x512xf32, #tpu.memory_space<hbm>>
        %dma_wait3A_570 = arith.constant 0 : i32
        %dma_wait3A_571 = tpu.memref_slice %arg4[%select_n3A_560, %rem3A_562, %mul3A_566, %dma_wait3A_570] : memref<64x3x512x512xf32, #tpu.memory_space<hbm>> -> memref<1x1x32x512xf32, #tpu.memory_space<hbm>>
        %dma_wait3A_572 = tpu.memref_squeeze %dma_wait3A_571 : memref<1x1x32x512xf32, #tpu.memory_space<hbm>> -> memref<32x512xf32, #tpu.memory_space<hbm>>
        tpu.wait_dma2 semaphore(%arg14 : memref<!tpu.dma_semaphore, #tpu.memory_space<semaphore_mem>>) src(%arg10 : memref<32x512xf32, #tpu.memory_space<vmem>>) dst(%dma_wait3A_572 : memref<32x512xf32, #tpu.memory_space<hbm>>)
      } else {
      }
      %parallel_loop3A_438 = arith.constant 0 : i32
      %parallel_loop3A_439 = arith.constant 1024 : i32
      %parallel_loop3A_440 = arith.constant 1 : i32
      scf.for %parallel_loop3A_510 = %parallel_loop3A_438 to %parallel_loop3A_439 step %parallel_loop3A_440  : i32 {
        %parallel_loop3A_511 = arith.constant 32 : i32
        %parallel_loop3A_512 = arith.divsi %parallel_loop3A_510, %parallel_loop3A_511 : i32
        %parallel_loop3A_513 = arith.constant 0 : i32
        %parallel_loop3A_514 = arith.cmpi sgt, %parallel_loop3A_510, %parallel_loop3A_513 : i32
        %parallel_loop3A_515 = arith.extui %parallel_loop3A_514 : i1 to i32
        %parallel_loop3A_516 = arith.constant 0 : i32
        %parallel_loop3A_517 = arith.cmpi slt, %parallel_loop3A_510, %parallel_loop3A_516 : i32
        %parallel_loop3A_518 = arith.extui %parallel_loop3A_517 : i1 to i32
        %parallel_loop3A_519 = arith.subi %parallel_loop3A_515, %parallel_loop3A_518 : i32
        %parallel_loop3A_520 = arith.constant 0 : i32
        %parallel_loop3A_521 = arith.cmpi sgt, %parallel_loop3A_511, %parallel_loop3A_520 : i32
        %parallel_loop3A_522 = arith.extui %parallel_loop3A_521 : i1 to i32
        %parallel_loop3A_523 = arith.constant 0 : i32
        %parallel_loop3A_524 = arith.cmpi slt, %parallel_loop3A_511, %parallel_loop3A_523 : i32
        %parallel_loop3A_525 = arith.extui %parallel_loop3A_524 : i1 to i32
        %parallel_loop3A_526 = arith.subi %parallel_loop3A_522, %parallel_loop3A_525 : i32
        %parallel_loop3A_527 = arith.cmpi ne, %parallel_loop3A_519, %parallel_loop3A_526 : i32
        %parallel_loop3A_528 = arith.remsi %parallel_loop3A_510, %parallel_loop3A_511 : i32
        %parallel_loop3A_529 = arith.constant 0 : i32
        %parallel_loop3A_530 = arith.cmpi ne, %parallel_loop3A_528, %parallel_loop3A_529 : i32
        %parallel_loop3A_531 = arith.andi %parallel_loop3A_527, %parallel_loop3A_530 : i1
        %parallel_loop3A_532 = arith.constant 1 : i32
        %parallel_loop3A_533 = arith.subi %parallel_loop3A_512, %parallel_loop3A_532 : i32
        %parallel_loop3A_534 = arith.select %parallel_loop3A_531, %parallel_loop3A_533, %parallel_loop3A_512 : i32
        %parallel_loop3A_535 = arith.constant 32 : i32
        %parallel_loop3A_536 = arith.remsi %parallel_loop3A_510, %parallel_loop3A_535 : i32
        %parallel_loop3A_537 = arith.constant 16 : i32
        %parallel_loop3A_538 = arith.muli %parallel_loop3A_536, %parallel_loop3A_537 : i32
        %parallel_loop3A_539 = arith.index_cast %parallel_loop3A_534 : i32 to index
        %parallel_loop3A_540 = arith.index_cast %parallel_loop3A_538 : i32 to index
        %parallel_loop3A_541 = tpu.vector_load %arg8[%parallel_loop3A_539, %parallel_loop3A_540] {strides = array<i32>} : memref<32x512xf32, #tpu.memory_space<vmem>>, vector<16xf32>,
        %parallel_loop3A_542 = arith.constant 2.550000e+02 : f32
        %parallel_loop3A_543 = vector.broadcast %parallel_loop3A_542 : f32 to vector<16xf32>
        %parallel_loop3A_544 = arith.mulf %parallel_loop3A_541, %parallel_loop3A_543 : vector<16xf32>
        %parallel_loop3A_545 = vector.broadcast %convert_element_type3A_369 : f32 to vector<16xf32>
        %parallel_loop3A_546 = arith.addf %parallel_loop3A_544, %parallel_loop3A_545 : vector<16xf32>
        %parallel_loop3A_547 = arith.fptosi %parallel_loop3A_546 : vector<16xf32> to vector<16xi32>
        %parallel_loop3A_548 = arith.sitofp %parallel_loop3A_547 : vector<16xi32> to vector<16xf32>
        %parallel_loop3A_549 = arith.subf %parallel_loop3A_546, %parallel_loop3A_548 : vector<16xf32>
        %parallel_loop3A_550 = tpu.vector_load_idx %arg5[%parallel_loop3A_547] : memref<784xf32, #tpu.memory_space<vmem>>[vector<16xi32>], vector<16xf32>,
        %parallel_loop3A_551 = tpu.vector_load_idx %arg6[%parallel_loop3A_547] : memref<784xf32, #tpu.memory_space<vmem>>[vector<16xi32>], vector<16xf32>,
        %parallel_loop3A_552 = arith.mulf %parallel_loop3A_549, %parallel_loop3A_551 : vector<16xf32>
        %parallel_loop3A_553 = arith.addf %parallel_loop3A_550, %parallel_loop3A_552 : vector<16xf32>
        %parallel_loop3A_554 = arith.index_cast %parallel_loop3A_534 : i32 to index
        %parallel_loop3A_555 = arith.index_cast %parallel_loop3A_538 : i32 to index
        %parallel_loop3A_556 = tpu.vector_load %arg10[%parallel_loop3A_554, %parallel_loop3A_555] {strides = array<i32>} : memref<32x512xf32, #tpu.memory_space<vmem>>, vector<16xf32>,
        tpu.vector_store %arg10[%parallel_loop3A_554, %parallel_loop3A_555], %parallel_loop3A_553 {strides = array<i32>} : memref<32x512xf32, #tpu.memory_space<vmem>>, vector<16xf32>,
      } {sc.loop_unroll_factor = 8 : i64, sc.parallel_access}
      %mul3A_441 = arith.constant 6 : i32
      %mul3A_442 = arith.muli %add3A, %mul3A_441 : i32
      %jit3A_443 = arith.constant 16 : i32
      %div3A_444 = arith.divsi %add3A_337, %jit3A_443 : i32
      %sign3A_445 = arith.constant 0 : i32
      %sign3A_446 = arith.cmpi sgt, %add3A_337, %sign3A_445 : i32
      %sign3A_447 = arith.extui %sign3A_446 : i1 to i32
      %sign3A_448 = arith.constant 0 : i32
      %sign3A_449 = arith.cmpi slt, %add3A_337, %sign3A_448 : i32
      %sign3A_450 = arith.extui %sign3A_449 : i1 to i32
      %sign3A_451 = arith.subi %sign3A_447, %sign3A_450 : i32
      %sign3A_452 = arith.constant 0 : i32
      %sign3A_453 = arith.cmpi sgt, %jit3A_443, %sign3A_452 : i32
      %sign3A_454 = arith.extui %sign3A_453 : i1 to i32
      %sign3A_455 = arith.constant 0 : i32
      %sign3A_456 = arith.cmpi slt, %jit3A_443, %sign3A_455 : i32
      %sign3A_457 = arith.extui %sign3A_456 : i1 to i32
      %sign3A_458 = arith.subi %sign3A_454, %sign3A_457 : i32
      %ne3A_459 = arith.cmpi ne, %sign3A_451, %sign3A_458 : i32
      %rem3A_460 = arith.remsi %add3A_337, %jit3A_443 : i32
      %ne3A_461 = arith.constant 0 : i32
      %ne3A_462 = arith.cmpi ne, %rem3A_460, %ne3A_461 : i32
      %and3A_463 = arith.andi %ne3A_459, %ne3A_462 : i1
      %sub3A_464 = arith.constant 1 : i32
      %sub3A_465 = arith.subi %div3A_444, %sub3A_464 : i32
      %select_n3A_466 = arith.select %and3A_463, %sub3A_465, %div3A_444 : i32
      %add3A_467 = arith.addi %mul3A_442, %select_n3A_466 : i32
      %jit3A_468 = arith.constant 3 : i32
      %div3A_469 = arith.divsi %add3A_467, %jit3A_468 : i32
      %sign3A_470 = arith.constant 0 : i32
      %sign3A_471 = arith.cmpi sgt, %add3A_467, %sign3A_470 : i32
      %sign3A_472 = arith.extui %sign3A_471 : i1 to i32
      %sign3A_473 = arith.constant 0 : i32
      %sign3A_474 = arith.cmpi slt, %add3A_467, %sign3A_473 : i32
      %sign3A_475 = arith.extui %sign3A_474 : i1 to i32
      %sign3A_476 = arith.subi %sign3A_472, %sign3A_475 : i32
      %sign3A_477 = arith.constant 0 : i32
      %sign3A_478 = arith.cmpi sgt, %jit3A_468, %sign3A_477 : i32
      %sign3A_479 = arith.extui %sign3A_478 : i1 to i32
      %sign3A_480 = arith.constant 0 : i32
      %sign3A_481 = arith.cmpi slt, %jit3A_468, %sign3A_480 : i32
      %sign3A_482 = arith.extui %sign3A_481 : i1 to i32
      %sign3A_483 = arith.subi %sign3A_479, %sign3A_482 : i32
      %ne3A_484 = arith.cmpi ne, %sign3A_476, %sign3A_483 : i32
      %rem3A_485 = arith.remsi %add3A_467, %jit3A_468 : i32
      %ne3A_486 = arith.constant 0 : i32
      %ne3A_487 = arith.cmpi ne, %rem3A_485, %ne3A_486 : i32
      %and3A_488 = arith.andi %ne3A_484, %ne3A_487 : i1
      %sub3A_489 = arith.constant 1 : i32
      %sub3A_490 = arith.subi %div3A_469, %sub3A_489 : i32
      %select_n3A_491 = arith.select %and3A_488, %sub3A_490, %div3A_469 : i32
      %rem3A_492 = arith.constant 3 : i32
      %rem3A_493 = arith.remsi %add3A_467, %rem3A_492 : i32
      %rem3A_494 = arith.constant 16 : i32
      %rem3A_495 = arith.remsi %add3A_337, %rem3A_494 : i32
      %mul3A_496 = arith.constant 32 : i32
      %mul3A_497 = arith.muli %rem3A_495, %mul3A_496 : i32
      %dma_start3A_498 = arith.constant 0 : i32
      %dma_start3A_499 = tpu.memref_slice %arg4[%select_n3A_491, %rem3A_493, %mul3A_497, %dma_start3A_498] : memref<64x3x512x512xf32, #tpu.memory_space<hbm>> -> memref<1x1x32x512xf32, #tpu.memory_space<hbm>>
      %dma_start3A_500 = tpu.memref_squeeze %dma_start3A_499 : memref<1x1x32x512xf32, #tpu.memory_space<hbm>> -> memref<32x512xf32, #tpu.memory_space<hbm>>
      %dma_start3A_501 = arith.constant 0 : i32
      %dma_start3A_502 = tpu.memref_slice %arg4[%select_n3A_491, %rem3A_493, %mul3A_497, %dma_start3A_501] : memref<64x3x512x512xf32, #tpu.memory_space<hbm>> -> memref<1x1x32x512xf32, #tpu.memory_space<hbm>>
      %dma_start3A_503 = tpu.memref_squeeze %dma_start3A_502 : memref<1x1x32x512xf32, #tpu.memory_space<hbm>> -> memref<32x512xf32, #tpu.memory_space<hbm>>
      tpu.enqueue_dma source(%arg10 : memref<32x512xf32, #tpu.memory_space<vmem>>) target(%dma_start3A_503 : memref<32x512xf32, #tpu.memory_space<hbm>>) target_semaphore(%arg14 : memref<!tpu.dma_semaphore, #tpu.memory_space<semaphore_mem>>)
      %le3A_504 = arith.constant 46 : i32
      %le3A_505 = arith.cmpi sle, %scan3A_162, %le3A_504 : i32
      %convert_element_type3A_506 = arith.extui %le3A_505 : i1 to i32
      %cond3A_507 = arith.constant 0 : i32
      %cond3A_508 = arith.cmpi ne, %convert_element_type3A_506, %cond3A_507 : i32
      scf.if %cond3A_508 {
        %add3A_510 = arith.constant 2 : i32
        %add3A_511 = arith.addi %add3A_337, %add3A_510 : i32
        %mul3A_512 = arith.constant 6 : i32
        %mul3A_513 = arith.muli %add3A, %mul3A_512 : i32
        %jit3A_514 = arith.constant 16 : i32
        %div3A_515 = arith.divsi %add3A_511, %jit3A_514 : i32
        %sign3A_516 = arith.constant 0 : i32
        %sign3A_517 = arith.cmpi sgt, %add3A_511, %sign3A_516 : i32
        %sign3A_518 = arith.extui %sign3A_517 : i1 to i32
        %sign3A_519 = arith.constant 0 : i32
        %sign3A_520 = arith.cmpi slt, %add3A_511, %sign3A_519 : i32
        %sign3A_521 = arith.extui %sign3A_520 : i1 to i32
        %sign3A_522 = arith.subi %sign3A_518, %sign3A_521 : i32
        %sign3A_523 = arith.constant 0 : i32
        %sign3A_524 = arith.cmpi sgt, %jit3A_514, %sign3A_523 : i32
        %sign3A_525 = arith.extui %sign3A_524 : i1 to i32
        %sign3A_526 = arith.constant 0 : i32
        %sign3A_527 = arith.cmpi slt, %jit3A_514, %sign3A_526 : i32
        %sign3A_528 = arith.extui %sign3A_527 : i1 to i32
        %sign3A_529 = arith.subi %sign3A_525, %sign3A_528 : i32
        %ne3A_530 = arith.cmpi ne, %sign3A_522, %sign3A_529 : i32
        %rem3A_531 = arith.remsi %add3A_511, %jit3A_514 : i32
        %ne3A_532 = arith.constant 0 : i32
        %ne3A_533 = arith.cmpi ne, %rem3A_531, %ne3A_532 : i32
        %and3A_534 = arith.andi %ne3A_530, %ne3A_533 : i1
        %sub3A_535 = arith.constant 1 : i32
        %sub3A_536 = arith.subi %div3A_515, %sub3A_535 : i32
        %select_n3A_537 = arith.select %and3A_534, %sub3A_536, %div3A_515 : i32
        %add3A_538 = arith.addi %mul3A_513, %select_n3A_537 : i32
        %jit3A_539 = arith.constant 3 : i32
        %div3A_540 = arith.divsi %add3A_538, %jit3A_539 : i32
        %sign3A_541 = arith.constant 0 : i32
        %sign3A_542 = arith.cmpi sgt, %add3A_538, %sign3A_541 : i32
        %sign3A_543 = arith.extui %sign3A_542 : i1 to i32
        %sign3A_544 = arith.constant 0 : i32
        %sign3A_545 = arith.cmpi slt, %add3A_538, %sign3A_544 : i32
        %sign3A_546 = arith.extui %sign3A_545 : i1 to i32
        %sign3A_547 = arith.subi %sign3A_543, %sign3A_546 : i32
        %sign3A_548 = arith.constant 0 : i32
        %sign3A_549 = arith.cmpi sgt, %jit3A_539, %sign3A_548 : i32
        %sign3A_550 = arith.extui %sign3A_549 : i1 to i32
        %sign3A_551 = arith.constant 0 : i32
        %sign3A_552 = arith.cmpi slt, %jit3A_539, %sign3A_551 : i32
        %sign3A_553 = arith.extui %sign3A_552 : i1 to i32
        %sign3A_554 = arith.subi %sign3A_550, %sign3A_553 : i32
        %ne3A_555 = arith.cmpi ne, %sign3A_547, %sign3A_554 : i32
        %rem3A_556 = arith.remsi %add3A_538, %jit3A_539 : i32
        %ne3A_557 = arith.constant 0 : i32
        %ne3A_558 = arith.cmpi ne, %rem3A_556, %ne3A_557 : i32
        %and3A_559 = arith.andi %ne3A_555, %ne3A_558 : i1
        %sub3A_560 = arith.constant 1 : i32
        %sub3A_561 = arith.subi %div3A_540, %sub3A_560 : i32
        %select_n3A_562 = arith.select %and3A_559, %sub3A_561, %div3A_540 : i32
        %rem3A_563 = arith.constant 3 : i32
        %rem3A_564 = arith.remsi %add3A_538, %rem3A_563 : i32
        %rem3A_565 = arith.constant 16 : i32
        %rem3A_566 = arith.remsi %add3A_511, %rem3A_565 : i32
        %mul3A_567 = arith.constant 32 : i32
        %mul3A_568 = arith.muli %rem3A_566, %mul3A_567 : i32
        %dma_start3A_569 = arith.constant 0 : i32
        %dma_start3A_570 = tpu.memref_slice %arg2[%select_n3A_562, %rem3A_564, %mul3A_568, %dma_start3A_569] : memref<64x3x512x512xf32, #tpu.memory_space<hbm>> -> memref<1x1x32x512xf32, #tpu.memory_space<hbm>>
        %dma_start3A_571 = tpu.memref_squeeze %dma_start3A_570 : memref<1x1x32x512xf32, #tpu.memory_space<hbm>> -> memref<32x512xf32, #tpu.memory_space<hbm>>
        %dma_start3A_572 = arith.constant 0 : i32
        %dma_start3A_573 = tpu.memref_slice %arg2[%select_n3A_562, %rem3A_564, %mul3A_568, %dma_start3A_572] : memref<64x3x512x512xf32, #tpu.memory_space<hbm>> -> memref<1x1x32x512xf32, #tpu.memory_space<hbm>>
        %dma_start3A_574 = tpu.memref_squeeze %dma_start3A_573 : memref<1x1x32x512xf32, #tpu.memory_space<hbm>> -> memref<32x512xf32, #tpu.memory_space<hbm>>
        tpu.enqueue_dma source(%dma_start3A_574 : memref<32x512xf32, #tpu.memory_space<hbm>>) target(%arg8 : memref<32x512xf32, #tpu.memory_space<vmem>>) target_semaphore(%arg12 : memref<!tpu.dma_semaphore, #tpu.memory_space<semaphore_mem>>)
      } else {
      }
      %scan3A_509 = arith.constant 0 : i32
      scf.yield %scan3A_509 : i32
    }
    %scan3A_80 = arith.constant 48 : i32
    %mul3A_81 = arith.constant 6 : i32
    %mul3A_82 = arith.muli %add3A, %mul3A_81 : i32
    %add3A_83 = arith.constant 5 : i32
    %add3A_84 = arith.addi %mul3A_82, %add3A_83 : i32
    %jit3A_85 = arith.constant 3 : i32
    %div3A_86 = arith.divsi %add3A_84, %jit3A_85 : i32
    %sign3A_87 = arith.constant 0 : i32
    %sign3A_88 = arith.cmpi sgt, %add3A_84, %sign3A_87 : i32
    %sign3A_89 = arith.extui %sign3A_88 : i1 to i32
    %sign3A_90 = arith.constant 0 : i32
    %sign3A_91 = arith.cmpi slt, %add3A_84, %sign3A_90 : i32
    %sign3A_92 = arith.extui %sign3A_91 : i1 to i32
    %sign3A_93 = arith.subi %sign3A_89, %sign3A_92 : i32
    %sign3A_94 = arith.constant 0 : i32
    %sign3A_95 = arith.cmpi sgt, %jit3A_85, %sign3A_94 : i32
    %sign3A_96 = arith.extui %sign3A_95 : i1 to i32
    %sign3A_97 = arith.constant 0 : i32
    %sign3A_98 = arith.cmpi slt, %jit3A_85, %sign3A_97 : i32
    %sign3A_99 = arith.extui %sign3A_98 : i1 to i32
    %sign3A_100 = arith.subi %sign3A_96, %sign3A_99 : i32
    %ne3A_101 = arith.cmpi ne, %sign3A_93, %sign3A_100 : i32
    %rem3A_102 = arith.remsi %add3A_84, %jit3A_85 : i32
    %ne3A_103 = arith.constant 0 : i32
    %ne3A_104 = arith.cmpi ne, %rem3A_102, %ne3A_103 : i32
    %and3A_105 = arith.andi %ne3A_101, %ne3A_104 : i1
    %sub3A_106 = arith.constant 1 : i32
    %sub3A_107 = arith.subi %div3A_86, %sub3A_106 : i32
    %select_n3A_108 = arith.select %and3A_105, %sub3A_107, %div3A_86 : i32
    %rem3A_109 = arith.constant 3 : i32
    %rem3A_110 = arith.remsi %add3A_84, %rem3A_109 : i32
    %rem3A_111 = arith.constant 94 : i32
    %rem3A_112 = arith.constant 16 : i32
    %rem3A_113 = arith.remsi %rem3A_111, %rem3A_112 : i32
    %mul3A_114 = arith.constant 32 : i32
    %mul3A_115 = arith.muli %rem3A_113, %mul3A_114 : i32
    %dma_wait3A = arith.constant 0 : i32
    %dma_wait3A_116 = tpu.memref_slice %arg4[%select_n3A_108, %rem3A_110, %mul3A_115, %dma_wait3A] : memref<64x3x512x512xf32, #tpu.memory_space<hbm>> -> memref<1x1x32x512xf32, #tpu.memory_space<hbm>>
    %dma_wait3A_117 = tpu.memref_squeeze %dma_wait3A_116 : memref<1x1x32x512xf32, #tpu.memory_space<hbm>> -> memref<32x512xf32, #tpu.memory_space<hbm>>
    %dma_wait3A_118 = arith.constant 0 : i32
    %dma_wait3A_119 = tpu.memref_slice %arg4[%select_n3A_108, %rem3A_110, %mul3A_115, %dma_wait3A_118] : memref<64x3x512x512xf32, #tpu.memory_space<hbm>> -> memref<1x1x32x512xf32, #tpu.memory_space<hbm>>
    %dma_wait3A_120 = tpu.memref_squeeze %dma_wait3A_119 : memref<1x1x32x512xf32, #tpu.memory_space<hbm>> -> memref<32x512xf32, #tpu.memory_space<hbm>>
    tpu.wait_dma2 semaphore(%arg13 : memref<!tpu.dma_semaphore, #tpu.memory_space<semaphore_mem>>) src(%arg9 : memref<32x512xf32, #tpu.memory_space<vmem>>) dst(%dma_wait3A_120 : memref<32x512xf32, #tpu.memory_space<hbm>>)
    %mul3A_121 = arith.constant 6 : i32
    %mul3A_122 = arith.muli %add3A, %mul3A_121 : i32
    %add3A_123 = arith.constant 5 : i32
    %add3A_124 = arith.addi %mul3A_122, %add3A_123 : i32
    %jit3A_125 = arith.constant 3 : i32
    %div3A_126 = arith.divsi %add3A_124, %jit3A_125 : i32
    %sign3A_127 = arith.constant 0 : i32
    %sign3A_128 = arith.cmpi sgt, %add3A_124, %sign3A_127 : i32
    %sign3A_129 = arith.extui %sign3A_128 : i1 to i32
    %sign3A_130 = arith.constant 0 : i32
    %sign3A_131 = arith.cmpi slt, %add3A_124, %sign3A_130 : i32
    %sign3A_132 = arith.extui %sign3A_131 : i1 to i32
    %sign3A_133 = arith.subi %sign3A_129, %sign3A_132 : i32
    %sign3A_134 = arith.constant 0 : i32
    %sign3A_135 = arith.cmpi sgt, %jit3A_125, %sign3A_134 : i32
    %sign3A_136 = arith.extui %sign3A_135 : i1 to i32
    %sign3A_137 = arith.constant 0 : i32
    %sign3A_138 = arith.cmpi slt, %jit3A_125, %sign3A_137 : i32
    %sign3A_139 = arith.extui %sign3A_138 : i1 to i32
    %sign3A_140 = arith.subi %sign3A_136, %sign3A_139 : i32
    %ne3A_141 = arith.cmpi ne, %sign3A_133, %sign3A_140 : i32
    %rem3A_142 = arith.remsi %add3A_124, %jit3A_125 : i32
    %ne3A_143 = arith.constant 0 : i32
    %ne3A_144 = arith.cmpi ne, %rem3A_142, %ne3A_143 : i32
    %and3A_145 = arith.andi %ne3A_141, %ne3A_144 : i1
    %sub3A_146 = arith.constant 1 : i32
    %sub3A_147 = arith.subi %div3A_126, %sub3A_146 : i32
    %select_n3A_148 = arith.select %and3A_145, %sub3A_147, %div3A_126 : i32
    %rem3A_149 = arith.constant 3 : i32
    %rem3A_150 = arith.remsi %add3A_124, %rem3A_149 : i32
    %rem3A_151 = arith.constant 95 : i32
    %rem3A_152 = arith.constant 16 : i32
    %rem3A_153 = arith.remsi %rem3A_151, %rem3A_152 : i32
    %mul3A_154 = arith.constant 32 : i32
    %mul3A_155 = arith.muli %rem3A_153, %mul3A_154 : i32
    %dma_wait3A_156 = arith.constant 0 : i32
    %dma_wait3A_157 = tpu.memref_slice %arg4[%select_n3A_148, %rem3A_150, %mul3A_155, %dma_wait3A_156] : memref<64x3x512x512xf32, #tpu.memory_space<hbm>> -> memref<1x1x32x512xf32, #tpu.memory_space<hbm>>
    %dma_wait3A_158 = tpu.memref_squeeze %dma_wait3A_157 : memref<1x1x32x512xf32, #tpu.memory_space<hbm>> -> memref<32x512xf32, #tpu.memory_space<hbm>>
    %dma_wait3A_159 = arith.constant 0 : i32
    %dma_wait3A_160 = tpu.memref_slice %arg4[%select_n3A_148, %rem3A_150, %mul3A_155, %dma_wait3A_159] : memref<64x3x512x512xf32, #tpu.memory_space<hbm>> -> memref<1x1x32x512xf32, #tpu.memory_space<hbm>>
    %dma_wait3A_161 = tpu.memref_squeeze %dma_wait3A_160 : memref<1x1x32x512xf32, #tpu.memory_space<hbm>> -> memref<32x512xf32, #tpu.memory_space<hbm>>
    tpu.wait_dma2 semaphore(%arg14 : memref<!tpu.dma_semaphore, #tpu.memory_space<semaphore_mem>>) src(%arg10 : memref<32x512xf32, #tpu.memory_space<vmem>>) dst(%dma_wait3A_161 : memref<32x512xf32, #tpu.memory_space<hbm>>)
    return
  }
}

</mosaic_0001>

<sc_bundles>
// kernel: _lut_apply.3.cloned.1.call-start
scs
__scs_entry_jumppad:
0x0: {  	(pc) =	sbr.rel $0x88, $3  }
0x1: {  	(tag) =	ssettag $0x0;
	lr =	simm.s32 $0x1  }
0x2: {  	[smem:$0x3F9F] =	sst lr;
	_ =	strace $0xD0000000  }
0x3: {  	_ = 	snop  }
0x4: {  	_ = 	snop  }
0x5: {  	_ = 	snop  }
0x6: {  	_ = 	snop  }
0x7: {  	_ = 	snop  }
__scs_overlays_trampoline_lowered:
0x8: {  	[smem:$0x3FAE] =	sst s0  }
0x9: {  	[smem:$0x3FAF] =	sst s1  }
0xa: {  	[smem:$0x3FB0] =	sst s2  }
0xb: {  	[smem:$0x3FB1] =	sst s3  }
0xc: {  	[smem:$0x3FB2] =	sst s4  }
0xd: {  	[smem:$0x3FB3] =	sst s5  }
0xe: {  	[smem:$0x3FB4] =	sst s6  }
0xf: {  	[smem:$0x3FB5] =	sst s7  }
0x10: {  	[smem:$0x3FB6] =	sst s8  }
0x11: {  	[smem:$0x3FB7] =	sst s9;
	s0 =	simm.s32 @!p0 $0x0  }
0x12: {  	s1 =	sld [smem:$0x3F9D];
	s0 =	simm.s32 @p0 $0x1  }
0x13: {  	[smem:$0x3FB8] =	sst s0;
	s0 =	simm.s32 @!p1 $0x0  }
0x14: {  	s2 =	sld [smem:$0x3F9C];
	s0 =	simm.s32 @p1 $0x1  }
0x15: {  	[smem:$0x3FB9] =	sst s0;
	s0 =	simm.s32 @!p2 $0x0  }
0x16: {  	s3 =	sld [smem:$0x3FDB];
	s0 =	simm.s32 @p2 $0x1  }
0x17: {  	s4 =	simm.s32 $0x1BF5;
	[smem:$0x3FBB] =	sst s0  }
0x18: {  	s0 =	sld [smem:$0x3F9E];
	_ =	swait.ge [sflag:s4], $0x0  }
0x19: {  	s7 =	sld [smem:$0x3F9F]  }
0x1a: {  	s8 =	sadd.s32 $0xFFFFE003, lr  }
0x1b: {  	s9 =	sadd.s32 $0xFFFFFEF7, lr;
	s5 =	simm.s32 $0xFFFFFFFF;
	p2 =	slt.u32 s8, $0xFFFFF086  }
0x1c: {  	p1 =	slt.u32 s9, $0xF7A;
	s5 =	simm.s32 @!p2 $0x0  }
0x1d: {  	s5 =	simm.s32 @p1 $0x1;
	p0 =	seq.s32 s7, s2  }
0x1e: {  	s7 =	smul.u32 @!p0 $0xF7A, s2;
	p2 =	seq.s32 @!p0 s5, $0x0  }
0x1f: {  	s9 =	smul.u32 $0xF7A, s1;
	s8 =	simm.s32 @!p0 $0x1BF5;
	p2 =	por !p2, p0  }
0x20: {  	[sflag:s8] =	ssyncset.s32 @!p0 $0xFFFFF086;
	s6 =	sadd.s32 @!p0 s3, s7;
	s7 =	simm.s32 @!p0 $0x108  }
0x21: {  	s3 =	sadd.s32 s3, s9;
	s6 =	sadd.s32 @!p0 $0x88, s6;
	s7 =	simm.s32 @p2 $0x1082  }
0x22: {  	[simem:s7], [sflag:s8] =	dma.local @!p0 [hbm:s6], $0xF7A  }
0x23: {  	s9 =	sor.u32 $0xD0000000, s2;
	s6 =	simm.s32 $0x108;
	_ =	swait.ge @!p0 [sflag:s8], $0x0  }
0x24: {  	s3 =	sadd.s32 $0x88, s3;
	s6 =	simm.s32 @!p1 $0x1082;
	[sflag:s4] =	ssyncset.s32 $0xFFFFF086  }
0x25: {  	[simem:s6], [sflag:s4] =	dma.local [hbm:s3], $0xF7A  }
0x26: {  	[smem:$0x3F9F] =	sst s1;
	(tag) =	ssettag s2;
	_ =	strace s9  }
0x27: {  	s1 =	sld [smem:$0x3FAF]  }
0x28: {  	s2 =	sld [smem:$0x3FB0]  }
0x29: {  	s4 =	sld [smem:$0x3FB2]  }
0x2a: {  	p0 =	seq.s32 s5, $0x0;
	s5 =	sld [smem:$0x3FB3]  }
0x2b: {  	s6 =	sld [smem:$0x3FB4]  }
0x2c: {  	s7 =	sld [smem:$0x3FB5]  }
0x2d: {  	s3 =	simm.s32 $0x108;
	s8 =	sld [smem:$0x3FB6]  }
0x2e: {  	s3 =	simm.s32 @!p0 $0x1082;
	s9 =	sld [smem:$0x3FB7]  }
0x2f: {  	lr =	sadd.s32 s0, s3;
	s0 =	sld [smem:$0x3FAE]  }
0x30: {  	s3 =	sld [smem:$0x3FB1]  }
0x31: {  	[smem:$0x3FBA] =	sst s10  }
0x32: {  	s10 =	sld [smem:$0x3FB8];
	_ =	sdelay $0x3  }
0x33: {  	p0 =	seq.s32 s10, $0x1;
	s10 =	sld [smem:$0x3FBA];
	_ =	sdelay $0x3  }
0x34: {  	[smem:$0x3FBA] =	sst s10  }
0x35: {  	s10 =	sld [smem:$0x3FB9];
	_ =	sdelay $0x3  }
0x36: {  	p1 =	seq.s32 s10, $0x1;
	s10 =	sld [smem:$0x3FBA];
	_ =	sdelay $0x3  }
0x37: {  	[smem:$0x3FBA] =	sst s10  }
0x38: {  	s10 =	sld [smem:$0x3FBB]  }
0x39: {  	_ = 	snop;
	(pc) =	sbr.ind lr, $3  }
0x3a: {  	_ = 	snop  }
0x3b: {  	_ = 	snop  }
0x3c: {  	p2 =	seq.s32 s10, $0x1;
	s10 =	sld [smem:$0x3FBA]  }
0x3d: {  	_ =	shalt  }
0x3e: {  	_ =	shalt  }
0x3f: {  	_ =	shalt  }
0x40: {  	_ =	shalt  }
0x41: {  	_ =	shalt  }
0x42: {  	_ =	shalt  }
0x43: {  	_ =	shalt  }
0x44: {  	_ =	shalt  }
0x45: {  	_ =	shalt  }
0x46: {  	_ =	shalt  }
0x47: {  	_ =	shalt  }
0x48: {  	_ =	shalt  }
0x49: {  	_ =	shalt  }
0x4a: {  	_ =	shalt  }
0x4b: {  	_ =	shalt  }
0x4c: {  	_ =	shalt  }
0x4d: {  	_ =	shalt  }
0x4e: {  	_ =	shalt  }
0x4f: {  	_ =	shalt  }
0x50: {  	_ =	shalt  }
0x51: {  	_ =	shalt  }
0x52: {  	_ =	shalt  }
0x53: {  	_ =	shalt  }
0x54: {  	_ =	shalt  }
0x55: {  	_ =	shalt  }
0x56: {  	_ =	shalt  }
0x57: {  	_ =	shalt  }
0x58: {  	_ =	shalt  }
0x59: {  	_ =	shalt  }
0x5a: {  	_ =	shalt  }
0x5b: {  	_ =	shalt  }
0x5c: {  	_ =	shalt  }
0x5d: {  	_ =	shalt  }
0x5e: {  	_ =	shalt  }
0x5f: {  	_ =	shalt  }
0x60: {  	_ =	shalt  }
0x61: {  	_ =	shalt  }
0x62: {  	_ =	shalt  }
0x63: {  	_ =	shalt  }
0x64: {  	_ =	shalt  }
0x65: {  	_ =	shalt  }
0x66: {  	_ =	shalt  }
0x67: {  	_ =	shalt  }
0x68: {  	_ =	shalt  }
0x69: {  	_ =	shalt  }
0x6a: {  	_ =	shalt  }
0x6b: {  	_ =	shalt  }
0x6c: {  	_ =	shalt  }
0x6d: {  	_ =	shalt  }
0x6e: {  	_ =	shalt  }
0x6f: {  	_ =	shalt  }
0x70: {  	_ =	shalt  }
0x71: {  	_ =	shalt  }
0x72: {  	_ =	shalt  }
0x73: {  	_ =	shalt  }
0x74: {  	_ =	shalt  }
0x75: {  	_ =	shalt  }
0x76: {  	_ =	shalt  }
0x77: {  	_ =	shalt  }
0x78: {  	_ =	shalt  }
0x79: {  	_ =	shalt  }
0x7a: {  	_ =	shalt  }
0x7b: {  	_ =	shalt  }
0x7c: {  	_ =	shalt  }
0x7d: {  	_ =	shalt  }
0x7e: {  	_ =	shalt  }
0x7f: {  	_ =	shalt  }
0x80: {  	_ =	shalt  }
0x81: {  	_ =	shalt  }
0x82: {  	_ =	shalt  }
0x83: {  	_ =	shalt  }
0x84: {  	_ =	shalt  }
0x85: {  	_ =	shalt  }
0x86: {  	_ =	shalt  }
0x87: {  	_ =	shalt  }
.Lfunc_end0:
.L_simem_size_0:
called_computation_lowered:
.L_overlay_start_0:
0x88: {  	s2 =	sld [smem:$0x3FD9]  }
0x89: {  	s3 =	sld [smem:$0x3FFE];
	_ =	sdelay $0x1  }
0x8a: {  	s1 =	srdreg.scid  }
0x8b: {  	s0 =	sand.u32 $0x1, s1  }
0x8c: {  	s18 =	sshll.u32 s0, $0xA;
	s2 =	sadd.s32 s3, s2  }
0x8d: {  	s2 =	sadd.s32 s2, s18  }
0x8e: {  	[smem:$0x3FC6] =	sst s2  }
0x8f: {  	_ = 	snop  }
0x90: {  	s2 =	sld [smem:$0x3FC9]  }
0x91: {  	s19 =	sld [smem:$0x3FC8]  }
0x92: {  	s4 =	sld [smem:$0x3FD0];
	(tm) =	ssettm $0x1  }
0x93: {  	s5 =	sld [smem:$0x3FFB];
	_ =	sdelay $0x3  }
0x94: {  	_ =	strace s5  }
0x95: {  	s5 =	sld [smem:$0x3FFC];
	_ =	sdelay $0x3  }
0x96: {  	_ =	strace s5  }
0x97: {  	s5 =	sld [smem:$0x3FFD];
	_ =	sdelay $0x3  }
0x98: {  	_ =	strace s5  }
0x99: {  	_ =	strace $0x8FFFFFFF  }
0x9a: {  	s20 =	sld [smem:$0x3FDB];
	_ =	sdelay $0x1  }
0x9b: {  	s6 =	simm.s32 $_scs_section_size  }
0x9c: {  	s7 =	simm.s32 $_size__tile_overlayer_lowered;
	s8 =	simm.s32 $_tile_overlayer_lowered  }
0x9d: {  	s23 =	simm.s32 $0x1BFF;
	s22 =	sshll.u32 s8, $0x1;
	s5 =	sadd.s32 s6, s20  }
0x9e: {  	s9 =	simm.s32 $0x0;
	s21 =	sshll.u32 s7, $0x1;
	s7 =	sadd.s32 s22, s5  }
0x9f: {  	[timem:s9], [sflag:s23] =	dma.local [hbm:s7], s21  }
0xa0: {  	_ =	swait.ge [sflag:s23], s21  }
0xa1: {  	s6 =	ssub.s32 $0x0, s21;
	[sflag:s23] =	ssyncset.done $0x0  }
0xa2: {  	[sflag:s23] =	ssyncadd.s32 s6;
	_ =	sdelay $0x1  }
0xa3: {  	s24 =	simm.s32 $0x1B8B  }
0xa4: {  	_ =	swait.ge [sflag:s24], $0x1  }
0xa5: {  	[sflag:s24] =	ssyncset.done $0x0  }
0xa6: {  	s25 =	simm.s32 $0x1B8E;
	[sflag:s24] =	ssyncadd.s32 $0xFFFFFFFF  }
0xa7: {  	s26 =	simm.s32 $execute0_lowered;
	[smem:$0x3FD2] =	sst s25  }
0xa8: {  	s6 =	sshll.u32 s26, $0x1;
	_ =	strace $0x80000046;
	[dreg:$0x1] =	wrdreg $0xFFFFFFFF  }
0xa9: {  	s28 =	simm.s32 $_size_execute0_lowered;
	s5 =	sadd.s32 s5, s6;
	[dreg:$0x0] =	wrdreg $0x0  }
0xaa: {  	s6 =	sshll.u32 s28, $0x1;
	[dreg:$0x2] =	wrdreg s5  }
0xab: {  	[dreg:$0x3] =	wrdreg s6  }
0xac: {  	[dreg:$0x4] =	wrdreg $0xC0  }
0xad: {  	_ =	task [dreg:s9], $0x5FFFF  }
0xae: {  	[dreg:$0x1] =	wrdreg $0xFFFFFFFF  }
0xaf: {  	[dreg:$0x0] =	wrdreg $0x60  }
0xb0: {  	[dreg:$0x2] =	wrdreg s2  }
0xb1: {  	[dreg:$0x3] =	wrdreg s19  }
0xb2: {  	[dreg:$0x4] =	wrdreg s4  }
0xb3: {  	[dreg:$0x5] =	wrdreg $0x9  }
0xb4: {  	_ =	task.clear_ibuf [dreg:s9], $0x6FFFF;
	_ =	strace $0x90000046  }
0xb5: {  	s29 =	simm.s32 $0x9;
	_ =	strace $0x80000048  }
0xb6: {  	_ =	swait.ge [sflag:s29], $0x1  }
0xb7: {  	[sflag:s29] =	ssyncadd.s32 $0xFFFFFFFF  }
0xb8: {  	_ =	strace $0x90000048  }
0xb9: {  	_ =	sfence  }
0xba: {  	s30 =	sld [smem:$0x0];
	_ =	sdelay $0x2  }
0xbb: {  	s31 =	sshll.u32 s1, $0xD;
	s1 =	sshrl.u32 s1, $0x2  }
0xbc: {  	s3 =	sand.u32 $0x4000, s31;
	s1 =	sadd.s32 s1, s30  }
0xbd: {  	s0 =	sor.u32 s3, s0;
	s1 =	sshll.u32 s1, $0x11  }
0xbe: {  	s0 =	sor.u32 s1, s0  }
0xbf: {  	s0 =	sadd.s32 $0x8F2B, s0  }
0xc0: {  	[sflag:s0] =	ssyncadd.remote.s32 $0x1  }
0xc1: {  	_ =	sfence.sel $0xFFFF  }
0xc2: {  	[dreg:$0x0] =	wrdreg $0xFFFFFFFF;
	(pc) =	sbr.abs _section_cstart, $3  }
0xc3: {  	[dreg:$0x1] =	wrdreg $0xFFFFFFFF  }
0xc4: {  	_ =	task.clear_ibuf [dreg:s9], $0x2FFFF;
	_ =	strace $0x9FFFFFFF  }
0xc5: {  	(tm) =	ssettm $0x7FFFFFFF  }
tec
execute0_lowered:
.L_overlay_start_1:
0x0: {  	(tag) =	ssettag $0x1  }
0x1: {  	s2 =	rddreg [dreg:$0x0]  }
0x2: {  	s3 =	rddreg [dreg:$0x1]  }
0x3: {  	s4 =	rddreg [dreg:$0x2]  }
0x4: {  	s0 =	srdreg.scid;
	s1 =	stileid.u32;
	s5 =	simm.s32 $0x0  }
0x5: {  	s12 =	simm.s32 $0x100;
	s13 =	simm.s32 $0x5;
	s14 =	simm.s32 $0x380  }
0x6: {  	s15 =	simm.s32 $0x700;
	s16 =	simm.s32 $0x4700;
	s17 =	simm.s32 $0x1  }
0x7: {  	s18 =	simm.s32 $0x8700;
	s19 =	simm.s32 $0x2;
	s20 =	simm.s32 $0x4  }
0x8: {  	s21 =	simm.s32 $0xC700;
	s0 =	sand.u32 $0x1, s0;
	s6 =	sshll.u32 s1, $0x1  }
.Ltmp0:
0x9: {  	s7 =	ssub.s32 $0x2, s0;
	s0 =	sor.u32 s0, s6;
	(pc) =	sbr.rel .LBB2_1-.Ltmp0, $4  }
0xa: {  	s22 =	simm.s32 $0x3;
	[smem:$0x7FF] =	sst s5;
	s8 =	smul.u32 $0x30000, s0  }
0xb: {  	s23 =	simm.s32 $0x0;
	_ =	strace $0x80000047;
	s31 =	sshrl.u32 s7, $0x1  }
0xc: {  	s6 =	sadd.s32 $0x10, s3;
	s10 =	ssub.s32 s7, s31;
	s8 =	sadd.s32 s2, s8  }
0xd: {  	s7 =	smul.u32 $0x6, s0;
	s10 =	smax.u32 s10, $0x1;
	s9 =	sadd.s32 $0x800, s8  }
.LBB2_12:
0xe: {  	s23 =	sadd.s32 $0x1, s23  }
0xf: {  	_ =	swait.ge [sflag:s22], $0x4000;
	p0 =	sne.s32 s23, s10  }
.Ltmp1:
0x10: {  	[sflag:s22] =	ssyncset.done $0x0;
	(pc) =	sbr.rel @!p0 .LBB2_13-.Ltmp1, $4  }
0x11: {  	[sflag:s22] =	ssyncadd.s32 $0xFFFFC000  }
0x12: {  	_ =	swait.ge [sflag:s20], $0x4000  }
0x13: {  	[sflag:s20] =	ssyncset.done $0x0  }
0x14: {  	[sflag:s20] =	ssyncadd.s32 $0xFFFFC000  }
.LBB2_1:
0x15: {  	s0 =	rddreg [dreg:$0x1];
	s1 =	simm.s32 $0x80  }
0x16: {  	[tilespmem:s5], [sflag:$0x5] =	stream.strided.gather [hbm4b:s0+s1], $0x380, s12, s1, $0x38;
	[tilespmem:$0x10700] =	vst v63  }
0x17: {  	_ =	swait.ge [sflag:s13], $0x380  }
0x18: {  	[sflag:s13] =	ssyncset.done $0x0  }
0x19: {  	[sflag:s13] =	ssyncadd.s32 $0xFFFFFC80  }
0x1a: {  	[tilespmem:s14], [sflag:$0x5] =	stream.strided.gather [hbm4b:s6+s1], $0x380, s12, s1, $0x38;
	[tilespmem:$0x10700] =	vst v63  }
0x1b: {  	_ =	swait.ge [sflag:s13], $0x380  }
0x1c: {  	[sflag:s13] =	ssyncset.done $0x0  }
0x1d: {  	[sflag:s13] =	ssyncadd.s32 $0xFFFFFC80  }
0x1e: {  	[tilespmem:s15], [sflag:$0x1] =	stream.linear.gather [hbm4b:s8+s5], $0x4000, $0x38;
	[tilespmem:$0x10700] =	vst v63  }
0x1f: {  	s24 =	simm.s32 $0x0  }
0x20: {  	[tilespmem:s16], [sflag:$0x2] =	stream.linear.gather [hbm4b:s9+s5], $0x4000, $0x38;
	[tilespmem:$0x10700] =	vst v63  }
.LBB2_2:
0x21: {  	s0 =	sshrl.u32 s24, $0x3;
	_ =	swait.ge [sflag:s17], $0x4000  }
0x22: {  	p0 =	seq.s32 s24, $0x0;
	s28 =	simm.s32 $0x0;
	s29 =	simm.s32 $0x0  }
0x23: {  	s30 =	simm.s32 $0x0;
	s0 =	sadd.s32 s7, s0;
	[sflag:s17] =	ssyncset.done $0x0  }
0x24: {  	s25 =	simm.s32 @!p0 $0x3;
	s29 =	sand.u32 $0x3000, s29;
	[sflag:s17] =	ssyncadd.s32 $0xFFFFC000  }
0x25: {  	s28 =	sand.u32 $0xC00, s28;
	s26 =	smulhi.u32 $0x55555556, s0;
	_ =	swait.ge @!p0 [sflag:s25], $0x4000  }
0x26: {  	s28 =	sor.u32 s28, s29;
	s29 =	sand.u32 $0x380, s30;
	[sflag:s25] =	ssyncset.done @!p0 $0x0  }
0x27: {  	s29 =	sor.u32 s29, s28;
	s30 =	smul.u32 $0x3, s26;
	[sflag:s25] =	ssyncadd.s32 @!p0 $0xFFFFC000  }
0x28: {  	v0 =	vld [tilespmem:s29+$0x770]  }
0x29: {  	s28 =	ssub.s32 s0, s30  }
0x2a: {  	v1 =	vld [tilespmem:s29+$0x700];
	s0 =	smul.u32 $0x101, s28  }
0x2b: {  	v2 =	vld [tilespmem:s29+$0x710]  }
0x2c: {  	v3 =	vld [tilespmem:s29+$0x720];
	s0 =	scvt.s32.f32 s0  }
0x2d: {  	v4 =	vld [tilespmem:s29+$0x730];
	v5 =	vmul.f32 $2.550000000e+02, v0  }
0x2e: {  	v8 =	vld [tilespmem:s29+$0x750];
	v0 =	vmov s0  }
0x2f: {  	v1 =	vmul.f32 $2.550000000e+02, v1;
	v5 =	vadd.f32 v5, v0  }
0x30: {  	v2 =	vmul.f32 $2.550000000e+02, v2  }
0x31: {  	v3 =	vmul.f32 $2.550000000e+02, v3;
	v1 =	vadd.f32 v1, v0;
	v7 =	vtrunc.f32 v5  }
0x32: {  	v6 =	vld [tilespmem:s29+$0x740];
	v9 =	vadd.f32 v2, v0;
	v2 =	vmul.f32 $2.550000000e+02, v4;
	v4 =	vcvt.f32.s32 v7  }
0x33: {  	s1 =	simm.s32 $0x80;
	s31 =	simm.s32 $0x400;
	v8 =	vmul.f32 $2.550000000e+02, v8;
	v3 =	vadd.f32 v3, v0;
	v10 =	vtrunc.f32 v1;
	v7 =	vld [tilespmem:s29+$0x760]  }
0x34: {  	s3 =	sand.u32 $0xC00, s31;
	s30 =	simm.s32 $0x20;
	s0 =	sand.u32 $0x3000, s1;
	v11 =	vadd.f32 v2, v0;
	v2 =	vtrunc.f32 v9;
	v10 =	vcvt.f32.s32 v10  }
0x35: {  	s11 =	sand.u32 $0x380, s30;
	s0 =	sor.u32 s3, s0;
	v12 =	vtrunc.f32 v3;
	v15 =	vcvt.f32.s32 v2  }
0x36: {  	s30 =	sor.u32 s11, s0;
	v24 =	vcvt.f32.s32 v12  }
0x37: {  	v6 =	vmul.f32 $2.550000000e+02, v6;
	v8 =	vadd.f32 v8, v0;
	v23 =	vld [tilespmem:s30+$0x710];
	v2 =	vtrunc.f32 v11  }
0x38: {  	v25 =	vcvt.f32.s32 v2;
	v2 =	vmul.f32 $2.550000000e+02, v7;
	v7 =	vld.idx.msk [tilespmem:v4+s14+$0x0], $0xffff  }
0x39: {  	v14 =	vtrunc.f32 v8;
	v12 =	vld.idx.msk [tilespmem:v4+s5+$0x0], $0xffff  }
0x3a: {  	v6 =	vadd.f32 v6, v0;
	v28 =	vcvt.f32.s32 v14;
	v19 =	vcvt.s32.f32 v10;
	v13 =	vld.idx.msk [tilespmem:v10+s14+$0x0], $0xffff  }
0x3b: {  	v20 =	vcvt.s32.f32 v15;
	v16 =	vld.idx.msk [tilespmem:v15+s14+$0x0], $0xffff;
	v4 =	vcvt.s32.f32 v4;
	v26 =	vadd.f32 v2, v0  }
0x3c: {  	v21 =	vcvt.s32.f32 v24;
	v18 =	vld.idx.msk [tilespmem:v24+s14+$0x0], $0xffff;
	v2 =	vtrunc.f32 v6  }
0x3d: {  	v27 =	vcvt.f32.s32 v2;
	v4 =	vsub.f32 v5, v4;
	v5 =	vld [tilespmem:s30+$0x700];
	v17 =	vtrunc.f32 v26  }
0x3e: {  	v19 =	vsub.f32 v1, v19;
	v1 =	vcvt.s32.f32 v25;
	v2 =	vcvt.f32.s32 v17;
	v17 =	vld [tilespmem:s30+$0x770]  }
0x3f: {  	v9 =	vsub.f32 v9, v20;
	v3 =	vsub.f32 v3, v21;
	v14 =	vld.idx.msk [tilespmem:v25+s14+$0x0], $0xffff;
	v22 =	vcvt.s32.f32 v27  }
0x40: {  	v30 =	vcvt.s32.f32 v28;
	v11 =	vsub.f32 v11, v1;
	v4 =	vmul.f32 v4, v7;
	v7 =	vld [tilespmem:s30+$0x720]  }
0x41: {  	v20 =	vld [tilespmem:s30+$0x730];
	v34 =	vmul.f32 v9, v16;
	v18 =	vmul.f32 v3, v18;
	v1 =	vsub.f32 v6, v22  }
0x42: {  	v21 =	vld [tilespmem:s30+$0x740];
	v6 =	vmul.f32 v19, v13;
	v4 =	vadd.f32 v4, v12;
	v12 =	vmul.f32 $2.550000000e+02, v23  }
0x43: {  	v9 =	vld [tilespmem:s30+$0x750];
	v5 =	vmul.f32 $2.550000000e+02, v5;
	v13 =	vmul.f32 $2.550000000e+02, v17  }
0x44: {  	v31 =	vcvt.s32.f32 v2;
	v22 =	vld [tilespmem:s30+$0x760];
	v3 =	vmul.f32 v11, v14;
	v17 =	vadd.f32 v12, v0  }
0x45: {  	v32 =	vld.idx.msk [tilespmem:v10+s5+$0x0], $0xffff;
	v19 =	vadd.f32 v5, v0;
	v5 =	vmul.f32 $2.550000000e+02, v7;
	v23 =	vadd.f32 v13, v0  }
0x46: {  	v36 =	vld.idx.msk [tilespmem:v15+s5+$0x0], $0xffff;
	v7 =	vmul.f32 $2.550000000e+02, v20;
	v10 =	vtrunc.f32 v17  }
0x47: {  	v29 =	vld.idx.msk [tilespmem:v24+s5+$0x0], $0xffff;
	v16 =	vadd.f32 v5, v0;
	v5 =	vmul.f32 $2.550000000e+02, v21;
	v11 =	vtrunc.f32 v23  }
0x48: {  	v25 =	vld.idx.msk [tilespmem:v25+s5+$0x0], $0xffff;
	v20 =	vadd.f32 v7, v0;
	v7 =	vmul.f32 $2.550000000e+02, v9;
	v35 =	vcvt.f32.s32 v11  }
0x49: {  	v14 =	vld.idx.msk [tilespmem:v28+s14+$0x0], $0xffff;
	v11 =	vtrunc.f32 v19;
	v21 =	vadd.f32 v5, v0;
	v5 =	vmul.f32 $2.550000000e+02, v22  }
0x4a: {  	v24 =	vld.idx.msk [tilespmem:v27+s5+$0x0], $0xffff;
	v33 =	vtrunc.f32 v16;
	v37 =	vtrunc.f32 v20;
	v22 =	vadd.f32 v7, v0  }
0x4b: {  	v12 =	vld.idx.msk [tilespmem:v2+s14+$0x0], $0xffff;
	v7 =	vsub.f32 v26, v31;
	v9 =	vcvt.f32.s32 v11;
	v11 =	vcvt.f32.s32 v10  }
0x4c: {  	v13 =	vld.idx.msk [tilespmem:v27+s14+$0x0], $0xffff;
	v10 =	vcvt.f32.s32 v33;
	v38 =	vtrunc.f32 v21;
	v15 =	vadd.f32 v5, v0  }
0x4d: {  	v26 =	vld.idx.msk [tilespmem:v28+s5+$0x0], $0xffff;
	v5 =	vsub.f32 v8, v30;
	v39 =	vtrunc.f32 v22;
	v8 =	vcvt.f32.s32 v37  }
0x4e: {  	v32 =	vadd.f32 v6, v32;
	v33 =	vcvt.s32.f32 v35;
	v6 =	vcvt.f32.s32 v38;
	v27 =	vld.idx.msk [tilespmem:v35+s14+$0x0], $0xffff  }
0x4f: {  	s25 =	sshll.u32 s24, $0x1;
	s0 =	simm.s32 $0x8;
	[tilespmem:s29+$0x8770] =	vst v4;
	v31 =	vadd.f32 v34, v36;
	v4 =	vcvt.f32.s32 v39;
	v30 =	vtrunc.f32 v15;
	v28 =	vld.idx.msk [tilespmem:v35+s5+$0x0], $0xffff  }
.LBB2_3:
0x50: {  	s0 =	sadd.s32 $0x8, s0;
	v34 =	vcvt.s32.f32 v9;
	[tilespmem:s29+$0x8700] =	vst v32;
	v18 =	vadd.f32 v18, v29;
	v29 =	vld.idx.msk [tilespmem:v2+s5+$0x0], $0xffff;
	v2 =	vcvt.f32.s32 v30  }
0x51: {  	v32 =	vcvt.s32.f32 v11;
	v35 =	vcvt.s32.f32 v10;
	s31 =	sadd.s32 $0x400, s31;
	s1 =	sshll.u32 s0, $0x4;
	p1 =	slt.u32 s0, $0x3F8;
	v30 =	vld.idx.msk [tilespmem:v9+s14+$0x0], $0xffff;
	v23 =	vsub.f32 v23, v33;
	[tilespmem:s29+$0x8710] =	vst v31  }
0x52: {  	s3 =	sand.u32 $0xC00, s31;
	s11 =	sshll.u32 s0, $0x2;
	v33 =	vcvt.s32.f32 v8;
	s1 =	sand.u32 $0x3000, s1;
	v19 =	vsub.f32 v19, v34;
	v31 =	vld.idx.msk [tilespmem:v11+s14+$0x0], $0xffff;
	v34 =	vcvt.s32.f32 v6;
	[tilespmem:s29+$0x8720] =	vst v18  }
0x53: {  	v17 =	vsub.f32 v17, v32;
	v32 =	vcvt.s32.f32 v4;
	s1 =	sor.u32 s3, s1;
	s3 =	sand.u32 $0x380, s11;
	v18 =	vld.idx.msk [tilespmem:v10+s14+$0x0], $0xffff;
	v23 =	vmul.f32 v23, v27  }
0x54: {  	v16 =	vsub.f32 v16, v35;
	v20 =	vsub.f32 v20, v33;
	v33 =	vcvt.s32.f32 v2;
	s1 =	sor.u32 s3, s1;
	v27 =	vld.idx.msk [tilespmem:v8+s14+$0x0], $0xffff  }
0x55: {  	v13 =	vmul.f32 v1, v13;
	v1 =	vsub.f32 v21, v34;
	v35 =	vld [tilespmem:s1+$0x770];
	v23 =	vadd.f32 v23, v28  }
0x56: {  	v14 =	vmul.f32 v5, v14;
	v5 =	vsub.f32 v22, v32;
	v15 =	vsub.f32 v15, v33;
	v21 =	vld [tilespmem:s1+$0x700]  }
0x57: {  	v3 =	vadd.f32 v3, v25;
	v12 =	vmul.f32 v7, v12;
	v28 =	vmul.f32 v19, v30;
	v22 =	vld [tilespmem:s1+$0x710];
	[tilespmem:s30+$0x8770] =	vst v23  }
0x58: {  	v13 =	vadd.f32 v13, v24;
	v14 =	vadd.f32 v14, v26;
	v31 =	vmul.f32 v17, v31;
	v7 =	vmovc v15;
	v25 =	vld [tilespmem:s1+$0x720]  }
0x59: {  	v12 =	vadd.f32 v12, v29;
	v18 =	vmul.f32 v16, v18;
	v15 =	vld [tilespmem:s1+$0x730];
	[tilespmem:s29+$0x8730] =	vst v3  }
0x5a: {  	v3 =	vmul.f32 v20, v27;
	v24 =	vld [tilespmem:s1+$0x740];
	v16 =	vmul.f32 $2.550000000e+02, v35;
	[tilespmem:s29+$0x8740] =	vst v13  }
0x5b: {  	v13 =	vmul.f32 $2.550000000e+02, v21;
	v21 =	vld [tilespmem:s1+$0x750];
	[tilespmem:s29+$0x8750] =	vst v14  }
0x5c: {  	v14 =	vmul.f32 $2.550000000e+02, v22;
	v22 =	vld [tilespmem:s1+$0x760];
	v23 =	vadd.f32 v16, v0;
	[tilespmem:s29+$0x8760] =	vst v12;
	s29 =	smov.u32 s30;
	s30 =	smov.u32 s1  }
0x5d: {  	v19 =	vadd.f32 v13, v0;
	v12 =	vmul.f32 $2.550000000e+02, v25;
	v13 =	vld.idx.msk [tilespmem:v6+s14+$0x0], $0xffff  }
0x5e: {  	v17 =	vadd.f32 v14, v0;
	v15 =	vmul.f32 $2.550000000e+02, v15;
	v20 =	vtrunc.f32 v23;
	v14 =	vld.idx.msk [tilespmem:v4+s14+$0x0], $0xffff  }
0x5f: {  	v16 =	vadd.f32 v12, v0;
	v24 =	vmul.f32 $2.550000000e+02, v24;
	v34 =	vcvt.f32.s32 v20;
	v12 =	vld.idx.msk [tilespmem:v2+s14+$0x0], $0xffff  }
0x60: {  	v25 =	vtrunc.f32 v19;
	v20 =	vadd.f32 v15, v0;
	v15 =	vmul.f32 $2.550000000e+02, v21;
	v26 =	vld.idx.msk [tilespmem:v9+s5+$0x0], $0xffff  }
0x61: {  	v27 =	vtrunc.f32 v17;
	v21 =	vadd.f32 v24, v0;
	v24 =	vmul.f32 $2.550000000e+02, v22;
	v35 =	vld.idx.msk [tilespmem:v11+s5+$0x0], $0xffff  }
0x62: {  	v30 =	vtrunc.f32 v16;
	v32 =	vtrunc.f32 v20;
	v22 =	vadd.f32 v15, v0;
	v29 =	vld.idx.msk [tilespmem:v10+s5+$0x0], $0xffff  }
.Ltmp2:
0x63: {  	v9 =	vcvt.f32.s32 v25;
	v33 =	vtrunc.f32 v21;
	v15 =	vadd.f32 v24, v0;
	v25 =	vld.idx.msk [tilespmem:v8+s5+$0x0], $0xffff;
	(pc) =	sbr.rel @p1 .LBB2_3-.Ltmp2, $4  }
0x64: {  	v11 =	vcvt.f32.s32 v27;
	v36 =	vtrunc.f32 v22;
	v24 =	vld.idx.msk [tilespmem:v6+s5+$0x0], $0xffff  }
0x65: {  	v10 =	vcvt.f32.s32 v30;
	v30 =	vtrunc.f32 v15;
	v27 =	vld.idx.msk [tilespmem:v34+s14+$0x0], $0xffff  }
0x66: {  	v8 =	vcvt.f32.s32 v32;
	v6 =	vcvt.f32.s32 v33;
	v32 =	vadd.f32 v28, v26;
	v26 =	vld.idx.msk [tilespmem:v4+s5+$0x0], $0xffff  }
0x67: {  	v33 =	vcvt.s32.f32 v34;
	v4 =	vcvt.f32.s32 v36;
	v31 =	vadd.f32 v31, v35;
	v28 =	vld.idx.msk [tilespmem:v34+s5+$0x0], $0xffff  }
0x68: {  	_ =	sdelay $0x3  }
0x69: {  	v2 =	vld.idx.msk [tilespmem:v2+s5+$0x0], $0xffff  }
0x6a: {  	v34 =	vld.idx.msk [tilespmem:v9+s14+$0x0], $0xffff  }
0x6b: {  	v35 =	vld.idx.msk [tilespmem:v11+s14+$0x0], $0xffff  }
0x6c: {  	v37 =	vld.idx.msk [tilespmem:v10+s14+$0x0], $0xffff  }
0x6d: {  	v42 =	vld.idx.msk [tilespmem:v8+s14+$0x0], $0xffff  }
0x6e: {  	v30 =	vcvt.f32.s32 v30;
	v38 =	vld.idx.msk [tilespmem:v6+s14+$0x0], $0xffff  }
0x6f: {  	v36 =	vcvt.s32.f32 v9;
	v41 =	vcvt.s32.f32 v11;
	v49 =	vld.idx.msk [tilespmem:v9+s5+$0x0], $0xffff  }
0x70: {  	v18 =	vadd.f32 v18, v29;
	[tilespmem:s29+$0x8700] =	vst v32;
	v43 =	vcvt.s32.f32 v10;
	v44 =	vcvt.s32.f32 v8;
	v51 =	vld.idx.msk [tilespmem:v11+s5+$0x0], $0xffff  }
0x71: {  	v1 =	vmul.f32 v1, v13;
	v5 =	vmul.f32 v5, v14;
	v3 =	vadd.f32 v3, v25;
	v52 =	vld.idx.msk [tilespmem:v10+s5+$0x0], $0xffff  }
0x72: {  	v7 =	vmul.f32 v7, v12;
	v23 =	vsub.f32 v23, v33;
	v46 =	vld.idx.msk [tilespmem:v4+s14+$0x0], $0xffff;
	v19 =	vsub.f32 v19, v36  }
0x73: {  	v45 =	vcvt.s32.f32 v6;
	[tilespmem:s29+$0x8710] =	vst v31;
	v58 =	vld.idx.msk [tilespmem:v4+s5+$0x0], $0xffff;
	v17 =	vsub.f32 v17, v41;
	v16 =	vsub.f32 v16, v43  }
0x74: {  	[tilespmem:s29+$0x8720] =	vst v18;
	v20 =	vsub.f32 v20, v44;
	v1 =	vadd.f32 v1, v24;
	v23 =	vmul.f32 v23, v27  }
0x75: {  	v21 =	vsub.f32 v21, v45;
	[tilespmem:s29+$0x8730] =	vst v3;
	v3 =	vld.idx.msk [tilespmem:v8+s5+$0x0], $0xffff;
	v5 =	vadd.f32 v5, v26  }
0x76: {  	v47 =	vcvt.s32.f32 v4;
	[tilespmem:s29+$0x8740] =	vst v1;
	v1 =	vld.idx.msk [tilespmem:v6+s5+$0x0], $0xffff;
	v23 =	vadd.f32 v23, v28;
	v53 =	vmul.f32 v19, v34  }
0x77: {  	v55 =	vcvt.s32.f32 v30;
	v54 =	vmul.f32 v17, v35;
	v2 =	vadd.f32 v7, v2;
	[tilespmem:s29+$0x8750] =	vst v5;
	v48 =	vld.idx.msk [tilespmem:v30+s14+$0x0], $0xffff  }
0x78: {  	v50 =	vsub.f32 v22, v47;
	v56 =	vmul.f32 v16, v37;
	[tilespmem:s30+$0x8770] =	vst v23;
	v57 =	vadd.f32 v53, v49  }
0x79: {  	v59 =	vmul.f32 v20, v42;
	v60 =	vld.idx.msk [tilespmem:v30+s5+$0x0], $0xffff;
	[tilespmem:s29+$0x8760] =	vst v2;
	v2 =	vadd.f32 v54, v51  }
0x7a: {  	v6 =	vsub.f32 v15, v55;
	v62 =	vmul.f32 v21, v38;
	v61 =	vadd.f32 v56, v52;
	[tilespmem:s30+$0x8700] =	vst v57  }
0x7b: {  	s0 =	smul.u32 $0xC0000, s26;
	v3 =	vadd.f32 v59, v3;
	[tilespmem:s30+$0x8710] =	vst v2;
	v2 =	vmul.f32 v50, v46  }
0x7c: {  	s1 =	sshll.u32 s28, $0x12;
	s3 =	sshll.u32 s24, $0xF;
	p1 =	sne.s32 s24, $0x2F;
	[tilespmem:s30+$0x8720] =	vst v61;
	v1 =	vadd.f32 v62, v1;
	v63 =	vmul.f32 v6, v48  }
.Ltmp3:
0x7d: {  	s31 =	sand.u32 $0x38000, s3;
	s0 =	sadd.s32 s1, s0;
	[tilespmem:s30+$0x8730] =	vst v3;
	v2 =	vadd.f32 v2, v58;
	(pc) =	sbr.rel @p1 .LBB2_6-.Ltmp3, $4  }
0x7e: {  	s0 =	sor.u32 s31, s0;
	[tilespmem:s30+$0x8740] =	vst v1;
	v3 =	vadd.f32 v63, v60  }
0x7f: {  	s26 =	sshrl.u32 s0, $0x3;
	[tilespmem:s30+$0x8750] =	vst v2  }
0x80: {  	s0 =	sadd.s32 s4, s26;
	[tilespmem:s30+$0x8760] =	vst v3  }
0x81: {  	[hbm4b:s0+s5] =	stream.linear.scatter [tilespmem:s18], [sflag:$0x3], $0x4000, $0x38;
	[tilespmem:$0x10700] =	vst v63  }
.Ltmp4:
0x82: {  	(pc) =	sbr.rel .LBB2_7-.Ltmp4, $4  }
0x83: {  	_ = 	snop  }
0x84: {  	_ =	swait.ge [sflag:s19], $0x4000  }
0x85: {  	[sflag:s19] =	ssyncset.done $0x0  }
0x86: {  	[sflag:s19] =	ssyncadd.s32 $0xFFFFC000  }
.LBB2_6:
0x87: {  	s0 =	sadd.s32 $0x2, s25  }
0x88: {  	s1 =	sshrl.u32 s0, $0x4  }
0x89: {  	s1 =	sadd.s32 s7, s1  }
0x8a: {  	s3 =	smulhi.u32 $0x55555556, s1;
	_ =	sdelay $0x1  }
0x8b: {  	s11 =	smul.u32 $0x3, s3;
	_ =	sdelay $0x1  }
0x8c: {  	s3 =	smul.u32 $0xC0000, s3;
	s1 =	ssub.s32 s1, s11  }
0x8d: {  	s0 =	sshll.u32 s0, $0xE;
	s1 =	sshll.u32 s1, $0x12  }
0x8e: {  	s0 =	sand.u32 $0x38000, s0;
	s1 =	sadd.s32 s1, s3  }
0x8f: {  	s0 =	sor.u32 s0, s1  }
0x90: {  	s0 =	sshrl.u32 s0, $0x3  }
.Ltmp5:
0x91: {  	s0 =	sadd.s32 s2, s0;
	(pc) =	sbr.rel @p0 .LBB2_8-.Ltmp5, $4  }
0x92: {  	[tilespmem:s15], [sflag:$0x1] =	stream.linear.gather [hbm4b:s0+s5], $0x4000, $0x38;
	[tilespmem:$0x10700] =	vst v63  }
0x93: {  	_ =	swait.ge [sflag:s19], $0x4000  }
0x94: {  	[sflag:s19] =	ssyncset.done $0x0  }
0x95: {  	[sflag:s19] =	ssyncadd.s32 $0xFFFFC000  }
.LBB2_7:
0x96: {  	_ =	swait.ge [sflag:s20], $0x4000  }
0x97: {  	[sflag:s20] =	ssyncset.done $0x0  }
0x98: {  	[sflag:s20] =	ssyncadd.s32 $0xFFFFC000  }
.LBB2_8:
0x99: {  	s0 =	simm.s32 $0x0;
	s1 =	simm.s32 $0x0  }
0x9a: {  	s3 =	simm.s32 $0x0;
	s1 =	sand.u32 $0x3000, s1;
	s0 =	sand.u32 $0xC00, s0  }
0x9b: {  	s31 =	sand.u32 $0x380, s3;
	s0 =	sor.u32 s0, s1  }
0x9c: {  	s28 =	sor.u32 s31, s0  }
0x9d: {  	v1 =	vld [tilespmem:s28+$0x4770]  }
0x9e: {  	v2 =	vld [tilespmem:s28+$0x4700]  }
0x9f: {  	v3 =	vld [tilespmem:s28+$0x4710]  }
0xa0: {  	v5 =	vld [tilespmem:s28+$0x4730]  }
0xa1: {  	v8 =	vld [tilespmem:s28+$0x4750]  }
0xa2: {  	v4 =	vld [tilespmem:s28+$0x4720]  }
0xa3: {  	v9 =	vld [tilespmem:s28+$0x4760]  }
0xa4: {  	v6 =	vld [tilespmem:s28+$0x4740];
	v1 =	vmul.f32 $2.550000000e+02, v1  }
0xa5: {  	v2 =	vmul.f32 $2.550000000e+02, v2;
	v3 =	vmul.f32 $2.550000000e+02, v3  }
0xa6: {  	v5 =	vmul.f32 $2.550000000e+02, v5;
	v8 =	vmul.f32 $2.550000000e+02, v8  }
0xa7: {  	v1 =	vadd.f32 v1, v0;
	v7 =	vadd.f32 v2, v0;
	v2 =	vmul.f32 $2.550000000e+02, v4  }
0xa8: {  	v9 =	vmul.f32 $2.550000000e+02, v9;
	v3 =	vadd.f32 v3, v0;
	v5 =	vadd.f32 v5, v0  }
0xa9: {  	v4 =	vtrunc.f32 v1;
	v10 =	vadd.f32 v2, v0;
	v2 =	vmul.f32 $2.550000000e+02, v6  }
0xaa: {  	s30 =	simm.s32 $0x400;
	s1 =	simm.s32 $0x80;
	v6 =	vtrunc.f32 v7;
	v4 =	vcvt.f32.s32 v4  }
0xab: {  	s11 =	simm.s32 $0x20;
	s3 =	sand.u32 $0xC00, s30;
	s0 =	sand.u32 $0x3000, s1;
	v26 =	vadd.f32 v9, v0;
	v11 =	vtrunc.f32 v3;
	v13 =	vtrunc.f32 v5  }
0xac: {  	s31 =	sand.u32 $0x380, s11;
	s0 =	sor.u32 s3, s0;
	v6 =	vcvt.f32.s32 v6;
	v24 =	vcvt.f32.s32 v13;
	v13 =	vadd.f32 v2, v0  }
0xad: {  	s29 =	sor.u32 s31, s0;
	v18 =	vtrunc.f32 v26;
	v11 =	vcvt.f32.s32 v11  }
0xae: {  	v25 =	vld [tilespmem:s29+$0x4710];
	v12 =	vtrunc.f32 v10;
	v2 =	vtrunc.f32 v13  }
0xaf: {  	v27 =	vcvt.f32.s32 v2;
	v2 =	vcvt.f32.s32 v18;
	v18 =	vld [tilespmem:s29+$0x4770]  }
0xb0: {  	v15 =	vcvt.f32.s32 v12;
	v12 =	vld.idx.msk [tilespmem:v4+s14+$0x0], $0xffff  }
0xb1: {  	v8 =	vadd.f32 v8, v0;
	v20 =	vcvt.s32.f32 v6;
	v14 =	vld.idx.msk [tilespmem:v4+s5+$0x0], $0xffff  }
0xb2: {  	v9 =	vld.idx.msk [tilespmem:v6+s14+$0x0], $0xffff  }
0xb3: {  	v16 =	vtrunc.f32 v8;
	v7 =	vsub.f32 v7, v20;
	v20 =	vcvt.s32.f32 v24;
	v17 =	vld.idx.msk [tilespmem:v11+s14+$0x0], $0xffff  }
0xb4: {  	v28 =	vcvt.f32.s32 v16;
	v16 =	vld.idx.msk [tilespmem:v24+s14+$0x0], $0xffff  }
0xb5: {  	v4 =	vcvt.s32.f32 v4;
	v5 =	vsub.f32 v5, v20;
	v20 =	vld [tilespmem:s29+$0x4730]  }
0xb6: {  	v21 =	vcvt.s32.f32 v11;
	v19 =	vld.idx.msk [tilespmem:v15+s14+$0x0], $0xffff  }
0xb7: {  	v30 =	vcvt.s32.f32 v28;
	v22 =	vcvt.s32.f32 v15;
	v1 =	vsub.f32 v1, v4;
	v4 =	vld [tilespmem:s29+$0x4700]  }
0xb8: {  	v3 =	vsub.f32 v3, v21;
	v21 =	vld [tilespmem:s29+$0x4720];
	v23 =	vcvt.s32.f32 v27;
	v31 =	vcvt.s32.f32 v2  }
0xb9: {  	v10 =	vsub.f32 v10, v22;
	v22 =	vld [tilespmem:s29+$0x4750];
	v12 =	vmul.f32 v1, v12;
	v32 =	vmul.f32 v7, v9  }
0xba: {  	v9 =	vmul.f32 $2.550000000e+02, v18;
	v34 =	vmul.f32 v3, v17  }
0xbb: {  	v3 =	vmul.f32 v5, v16;
	v5 =	vmul.f32 $2.550000000e+02, v20  }
0xbc: {  	v1 =	vsub.f32 v13, v23;
	v7 =	vld [tilespmem:s29+$0x4740];
	v4 =	vmul.f32 $2.550000000e+02, v4;
	v18 =	vmul.f32 v10, v19  }
0xbd: {  	v6 =	vld.idx.msk [tilespmem:v6+s5+$0x0], $0xffff;
	v10 =	vmul.f32 $2.550000000e+02, v25;
	v23 =	vadd.f32 v9, v0;
	v20 =	vadd.f32 v5, v0  }
0xbe: {  	v36 =	vld.idx.msk [tilespmem:v11+s5+$0x0], $0xffff;
	v5 =	vmul.f32 $2.550000000e+02, v22;
	v19 =	vadd.f32 v4, v0;
	v4 =	vmul.f32 $2.550000000e+02, v21  }
0xbf: {  	v25 =	vld [tilespmem:s29+$0x4760];
	v17 =	vadd.f32 v10, v0;
	v9 =	vtrunc.f32 v23;
	v38 =	vtrunc.f32 v20  }
0xc0: {  	v29 =	vld.idx.msk [tilespmem:v15+s5+$0x0], $0xffff;
	v22 =	vadd.f32 v5, v0;
	v5 =	vsub.f32 v8, v30;
	v35 =	vcvt.f32.s32 v9  }
0xc1: {  	v13 =	vld.idx.msk [tilespmem:v27+s14+$0x0], $0xffff;
	v8 =	vcvt.f32.s32 v38;
	v16 =	vadd.f32 v4, v0;
	v4 =	vmul.f32 $2.550000000e+02, v7  }
0xc2: {  	v33 =	vadd.f32 v12, v14;
	v14 =	vld.idx.msk [tilespmem:v28+s14+$0x0], $0xffff;
	v7 =	vtrunc.f32 v19;
	v10 =	vtrunc.f32 v17  }
0xc3: {  	v12 =	vld.idx.msk [tilespmem:v2+s14+$0x0], $0xffff;
	v9 =	vcvt.f32.s32 v7;
	v11 =	vcvt.f32.s32 v10  }
0xc4: {  	v7 =	vsub.f32 v26, v31;
	v26 =	vld.idx.msk [tilespmem:v28+s5+$0x0], $0xffff;
	v21 =	vadd.f32 v4, v0;
	v4 =	vmul.f32 $2.550000000e+02, v25  }
0xc5: {  	[tilespmem:s28+$0xC770] =	vst v33;
	v33 =	vcvt.s32.f32 v35;
	v37 =	vtrunc.f32 v16;
	v25 =	vld.idx.msk [tilespmem:v24+s5+$0x0], $0xffff  }
0xc6: {  	v24 =	vld.idx.msk [tilespmem:v27+s5+$0x0], $0xffff;
	v10 =	vcvt.f32.s32 v37;
	v39 =	vtrunc.f32 v21;
	v15 =	vadd.f32 v4, v0  }
0xc7: {  	v32 =	vadd.f32 v32, v6;
	v4 =	vtrunc.f32 v22;
	v27 =	vld.idx.msk [tilespmem:v35+s14+$0x0], $0xffff;
	v6 =	vcvt.f32.s32 v39  }
0xc8: {  	s0 =	simm.s32 $0x8;
	v30 =	vadd.f32 v34, v36;
	v4 =	vcvt.f32.s32 v4;
	v28 =	vld.idx.msk [tilespmem:v35+s5+$0x0], $0xffff;
	v31 =	vtrunc.f32 v15  }
.LBB2_9:
0xc9: {  	s0 =	sadd.s32 $0x8, s0;
	v34 =	vcvt.s32.f32 v9;
	[tilespmem:s28+$0xC700] =	vst v32;
	v18 =	vadd.f32 v18, v29;
	v29 =	vld.idx.msk [tilespmem:v2+s5+$0x0], $0xffff;
	v2 =	vcvt.f32.s32 v31  }
0xca: {  	v32 =	vcvt.s32.f32 v11;
	v35 =	vcvt.s32.f32 v10;
	s30 =	sadd.s32 $0x400, s30;
	s1 =	sshll.u32 s0, $0x4;
	p0 =	slt.u32 s0, $0x3F8;
	v31 =	vld.idx.msk [tilespmem:v9+s14+$0x0], $0xffff;
	v23 =	vsub.f32 v23, v33;
	[tilespmem:s28+$0xC710] =	vst v30  }
0xcb: {  	s3 =	sand.u32 $0xC00, s30;
	s11 =	sshll.u32 s0, $0x2;
	v33 =	vcvt.s32.f32 v8;
	s1 =	sand.u32 $0x3000, s1;
	v19 =	vsub.f32 v19, v34;
	v30 =	vld.idx.msk [tilespmem:v11+s14+$0x0], $0xffff;
	v34 =	vcvt.s32.f32 v6;
	[tilespmem:s28+$0xC720] =	vst v18  }
0xcc: {  	v17 =	vsub.f32 v17, v32;
	v32 =	vcvt.s32.f32 v4;
	s1 =	sor.u32 s3, s1;
	s3 =	sand.u32 $0x380, s11;
	v18 =	vld.idx.msk [tilespmem:v10+s14+$0x0], $0xffff;
	v23 =	vmul.f32 v23, v27  }
0xcd: {  	v16 =	vsub.f32 v16, v35;
	v20 =	vsub.f32 v20, v33;
	v33 =	vcvt.s32.f32 v2;
	s1 =	sor.u32 s3, s1;
	v27 =	vld.idx.msk [tilespmem:v8+s14+$0x0], $0xffff  }
0xce: {  	v13 =	vmul.f32 v1, v13;
	v1 =	vsub.f32 v21, v34;
	v35 =	vld [tilespmem:s1+$0x4770];
	v23 =	vadd.f32 v23, v28  }
0xcf: {  	v14 =	vmul.f32 v5, v14;
	v5 =	vsub.f32 v22, v32;
	v15 =	vsub.f32 v15, v33;
	v21 =	vld [tilespmem:s1+$0x4700]  }
0xd0: {  	v3 =	vadd.f32 v3, v25;
	v12 =	vmul.f32 v7, v12;
	v28 =	vmul.f32 v19, v31;
	v22 =	vld [tilespmem:s1+$0x4710];
	[tilespmem:s29+$0xC770] =	vst v23  }
0xd1: {  	v13 =	vadd.f32 v13, v24;
	v14 =	vadd.f32 v14, v26;
	v30 =	vmul.f32 v17, v30;
	v7 =	vmovc v15;
	v25 =	vld [tilespmem:s1+$0x4720]  }
0xd2: {  	v12 =	vadd.f32 v12, v29;
	v18 =	vmul.f32 v16, v18;
	v15 =	vld [tilespmem:s1+$0x4730];
	[tilespmem:s28+$0xC730] =	vst v3  }
0xd3: {  	v3 =	vmul.f32 v20, v27;
	v24 =	vld [tilespmem:s1+$0x4740];
	v16 =	vmul.f32 $2.550000000e+02, v35;
	[tilespmem:s28+$0xC740] =	vst v13  }
0xd4: {  	v13 =	vmul.f32 $2.550000000e+02, v21;
	v21 =	vld [tilespmem:s1+$0x4750];
	[tilespmem:s28+$0xC750] =	vst v14  }
0xd5: {  	v14 =	vmul.f32 $2.550000000e+02, v22;
	v22 =	vld [tilespmem:s1+$0x4760];
	v23 =	vadd.f32 v16, v0;
	[tilespmem:s28+$0xC760] =	vst v12;
	s28 =	smov.u32 s29;
	s29 =	smov.u32 s1  }
0xd6: {  	v19 =	vadd.f32 v13, v0;
	v12 =	vmul.f32 $2.550000000e+02, v25;
	v13 =	vld.idx.msk [tilespmem:v6+s14+$0x0], $0xffff  }
0xd7: {  	v17 =	vadd.f32 v14, v0;
	v15 =	vmul.f32 $2.550000000e+02, v15;
	v20 =	vtrunc.f32 v23;
	v14 =	vld.idx.msk [tilespmem:v4+s14+$0x0], $0xffff  }
0xd8: {  	v16 =	vadd.f32 v12, v0;
	v24 =	vmul.f32 $2.550000000e+02, v24;
	v34 =	vcvt.f32.s32 v20;
	v12 =	vld.idx.msk [tilespmem:v2+s14+$0x0], $0xffff  }
0xd9: {  	v25 =	vtrunc.f32 v19;
	v20 =	vadd.f32 v15, v0;
	v15 =	vmul.f32 $2.550000000e+02, v21;
	v26 =	vld.idx.msk [tilespmem:v9+s5+$0x0], $0xffff  }
0xda: {  	v27 =	vtrunc.f32 v17;
	v21 =	vadd.f32 v24, v0;
	v24 =	vmul.f32 $2.550000000e+02, v22;
	v35 =	vld.idx.msk [tilespmem:v11+s5+$0x0], $0xffff  }
0xdb: {  	v31 =	vtrunc.f32 v16;
	v32 =	vtrunc.f32 v20;
	v22 =	vadd.f32 v15, v0;
	v29 =	vld.idx.msk [tilespmem:v10+s5+$0x0], $0xffff  }
.Ltmp6:
0xdc: {  	v9 =	vcvt.f32.s32 v25;
	v33 =	vtrunc.f32 v21;
	v15 =	vadd.f32 v24, v0;
	v25 =	vld.idx.msk [tilespmem:v8+s5+$0x0], $0xffff;
	(pc) =	sbr.rel @p0 .LBB2_9-.Ltmp6, $4  }
0xdd: {  	v11 =	vcvt.f32.s32 v27;
	v36 =	vtrunc.f32 v22;
	v24 =	vld.idx.msk [tilespmem:v6+s5+$0x0], $0xffff  }
0xde: {  	v10 =	vcvt.f32.s32 v31;
	v31 =	vtrunc.f32 v15;
	v27 =	vld.idx.msk [tilespmem:v34+s14+$0x0], $0xffff  }
0xdf: {  	v8 =	vcvt.f32.s32 v32;
	v6 =	vcvt.f32.s32 v33;
	v32 =	vadd.f32 v28, v26;
	v26 =	vld.idx.msk [tilespmem:v4+s5+$0x0], $0xffff  }
0xe0: {  	v33 =	vcvt.s32.f32 v34;
	v4 =	vcvt.f32.s32 v36;
	v30 =	vadd.f32 v30, v35;
	v28 =	vld.idx.msk [tilespmem:v34+s5+$0x0], $0xffff  }
0xe1: {  	_ =	sdelay $0x3  }
0xe2: {  	v0 =	vld.idx.msk [tilespmem:v2+s5+$0x0], $0xffff  }
0xe3: {  	v61 =	vld.idx.msk [tilespmem:v9+s14+$0x0], $0xffff  }
0xe4: {  	v34 =	vld.idx.msk [tilespmem:v11+s14+$0x0], $0xffff  }
0xe5: {  	v36 =	vld.idx.msk [tilespmem:v10+s14+$0x0], $0xffff  }
0xe6: {  	v63 =	vld.idx.msk [tilespmem:v8+s14+$0x0], $0xffff  }
0xe7: {  	v37 =	vld.idx.msk [tilespmem:v6+s14+$0x0], $0xffff  }
0xe8: {  	v60 =	vcvt.f32.s32 v31;
	v46 =	vld.idx.msk [tilespmem:v9+s5+$0x0], $0xffff  }
0xe9: {  	v35 =	vcvt.s32.f32 v9;
	v62 =	vcvt.s32.f32 v11;
	v48 =	vld.idx.msk [tilespmem:v11+s5+$0x0], $0xffff  }
0xea: {  	v18 =	vadd.f32 v18, v29;
	v40 =	vcvt.s32.f32 v10;
	v41 =	vcvt.s32.f32 v8;
	v49 =	vld.idx.msk [tilespmem:v10+s5+$0x0], $0xffff  }
0xeb: {  	[tilespmem:s28+$0xC700] =	vst v32;
	v1 =	vmul.f32 v1, v13;
	v5 =	vmul.f32 v5, v14;
	v51 =	vld.idx.msk [tilespmem:v8+s5+$0x0], $0xffff  }
0xec: {  	v3 =	vadd.f32 v3, v25;
	v7 =	vmul.f32 v7, v12;
	v53 =	vld.idx.msk [tilespmem:v6+s5+$0x0], $0xffff;
	v23 =	vsub.f32 v23, v33  }
0xed: {  	v42 =	vcvt.s32.f32 v6;
	[tilespmem:s28+$0xC710] =	vst v30;
	v43 =	vld.idx.msk [tilespmem:v4+s14+$0x0], $0xffff;
	v19 =	vsub.f32 v19, v35;
	v17 =	vsub.f32 v17, v62  }
0xee: {  	[tilespmem:s28+$0xC720] =	vst v18;
	v16 =	vsub.f32 v16, v40;
	v1 =	vadd.f32 v1, v24;
	v23 =	vmul.f32 v23, v27  }
0xef: {  	v44 =	vcvt.s32.f32 v4;
	v57 =	vld.idx.msk [tilespmem:v4+s5+$0x0], $0xffff;
	v20 =	vsub.f32 v20, v41;
	[tilespmem:s28+$0xC730] =	vst v3;
	v5 =	vadd.f32 v5, v26  }
0xf0: {  	v21 =	vsub.f32 v21, v42;
	[tilespmem:s28+$0xC740] =	vst v1;
	v23 =	vadd.f32 v23, v28;
	v50 =	vmul.f32 v19, v61  }
0xf1: {  	v54 =	vcvt.s32.f32 v60;
	v52 =	vmul.f32 v17, v34;
	v0 =	vadd.f32 v7, v0;
	[tilespmem:s28+$0xC750] =	vst v5;
	v45 =	vld.idx.msk [tilespmem:v60+s14+$0x0], $0xffff  }
0xf2: {  	v47 =	vsub.f32 v22, v44;
	v55 =	vmul.f32 v16, v36;
	[tilespmem:s29+$0xC770] =	vst v23;
	v56 =	vadd.f32 v50, v46  }
0xf3: {  	v58 =	vmul.f32 v20, v63;
	v2 =	vld.idx.msk [tilespmem:v60+s5+$0x0], $0xffff;
	[tilespmem:s28+$0xC760] =	vst v0;
	v59 =	vadd.f32 v52, v48  }
0xf4: {  	v6 =	vsub.f32 v15, v54;
	v61 =	vmul.f32 v21, v37;
	v60 =	vadd.f32 v55, v49;
	[tilespmem:s29+$0xC700] =	vst v56  }
0xf5: {  	v62 =	vmul.f32 v47, v43;
	v3 =	vadd.f32 v58, v51;
	[tilespmem:s29+$0xC710] =	vst v59  }
0xf6: {  	p0 =	seq.s32 s24, $0x2F;
	v1 =	vadd.f32 v61, v53;
	[tilespmem:s29+$0xC720] =	vst v60;
	v63 =	vmul.f32 v6, v45  }
.Ltmp7:
0xf7: {  	v0 =	vadd.f32 v62, v57;
	[tilespmem:s29+$0xC730] =	vst v3;
	(pc) =	sbr.rel @p0 .LBB2_12-.Ltmp7, $4  }
0xf8: {  	[tilespmem:s29+$0xC740] =	vst v1;
	v2 =	vadd.f32 v63, v2  }
0xf9: {  	s0 =	sadd.s32 s26, s4;
	[tilespmem:s29+$0xC750] =	vst v0  }
0xfa: {  	s0 =	sadd.s32 $0x800, s0;
	[tilespmem:s29+$0xC760] =	vst v2  }
0xfb: {  	[hbm4b:s0+s5] =	stream.linear.scatter [tilespmem:s21], [sflag:$0x4], $0x4000, $0x38;
	[tilespmem:$0x10700] =	vst v63  }
0xfc: {  	s0 =	sadd.s32 $0x3, s25  }
0xfd: {  	s1 =	sshrl.u32 s0, $0x4  }
0xfe: {  	s1 =	sadd.s32 s7, s1  }
0xff: {  	s3 =	smulhi.u32 $0x55555556, s1;
	_ =	sdelay $0x1  }
0x100: {  	s11 =	smul.u32 $0x3, s3;
	_ =	sdelay $0x1  }
0x101: {  	s3 =	smul.u32 $0xC0000, s3;
	s1 =	ssub.s32 s1, s11  }
0x102: {  	s0 =	sshll.u32 s0, $0xE;
	s1 =	sshll.u32 s1, $0x12  }
.Ltmp8:
0x103: {  	s0 =	sand.u32 $0x3C000, s0;
	s1 =	sadd.s32 s1, s3;
	(pc) =	sbr.rel .LBB2_2-.Ltmp8, $4  }
0x104: {  	s0 =	sor.u32 s0, s1  }
0x105: {  	s0 =	sshrl.u32 s0, $0x3  }
0x106: {  	s24 =	sadd.s32 $0x1, s24;
	s0 =	sadd.s32 s2, s0  }
0x107: {  	[tilespmem:s16], [sflag:$0x2] =	stream.linear.gather [hbm4b:s0+s5], $0x4000, $0x38;
	[tilespmem:$0x10700] =	vst v63  }
.LBB2_13:
0x108: {  	_ =	sfence.sel $0x180000  }
0x109: {  	[bflag:$0x0] =	sbarrier.arrive $0xFFFF  }
0x10a: {  	_ =	strace $0x90000047  }
0x10b: {  	s0 =	stileid.u32;
	[bflag:$0x2] =	sbarrier.arrive $0xFFFF  }
0x10c: {  	p0 =	sne.s32 s0, $0x0;
	s0 =	rddreg [dreg:$0x3]  }
0x10d: {  	s0 =	sadd.s32 @!p0 $0x100000, s0  }
0x10e: {  	[sflag:s0] =	ssyncadd.tile.s32 @!p0 $0x1;
	_ =	shalt  }
.Lfunc_end2:
_tile_overlayer_lowered:
.L_overlay_start_2:
0x10f: {  	(tag) =	ssettag $0x2  }
0x110: {  	s0 =	rddreg [dreg:$0x0];
	s2 =	stileid.u32  }
0x111: {  	s1 =	rddreg [dreg:$0x1];
	p0 =	sne.s32 s2, $0x0  }
0x112: {  	s3 =	rddreg [dreg:$0x2];
	[bflag:$0x3] =	sbarrier.arrive $0xFFFF;
	s2 =	simm.s32 @!p0 $0x1C05  }
0x113: {  	[timem:s3], [sflag:s2] =	dma.local @!p0 [hbm:s0], s1  }
0x114: {  	s0 =	simm.s32 @!p0 $0x5  }
0x115: {  	_ =	swait.ge @!p0 [sflag:s0], s1  }
0x116: {  	s1 =	ssub.s32 @!p0 $0x0, s1;
	[sflag:s0] =	ssyncset.done @!p0 $0x0  }
0x117: {  	[sflag:s0] =	ssyncadd.s32 @!p0 s1  }
0x118: {  	[bflag:$0x3] =	sbarrier.arrive $0xFFFF  }
0x119: {  	_ =	shalt  }

</sc_bundles>
